<compile_context>
chip_gen: v7x
topology: tpu7x:2x2x1
jax: 0.10.2.dev20260603
libtpu: 0.0.44.dev20260713+nightly
codegen_flags: <defaults>
</compile_context>

<pallas_src>
import jax
import jax.numpy as jnp
from jax import lax
from jax.experimental import pallas as pl
from jax.experimental.pallas import tpu as pltpu
from jax.experimental.pallas import tpu_sc as plsc

_M = 500000
_D = 64
_NSRC = 131072
_NE = _NSRC * _D
_NTILE = 16
_NCHUNK = 20
_RCHUNK = _M // _NCHUNK
_CE = _RCHUNK * _D
_INIT_SLICE = _CE // _NTILE
_PIECE = 4000
_NPIECE = _INIT_SLICE // _PIECE
_SCAN_B = 4096
_EPT = _NE // _NTILE
_NBATCH = _EPT // _SCAN_B
_GRP = 16
_NGRP = _SCAN_B // 16 // _GRP
_REG = 96
_CAP = _GRP * _REG
_CAPT = 2 * _CAP
_FTH = _REG - 32


def _body(inp_hbm, idx_hbm, src_hbm, out_hbm,
          acc, zeros_sp, stage_idx, stage_src, offbuf, valbuf, stage_io,
          sem_in, sem_io, sem_fl):
    cid = lax.axis_index("c")
    sid = lax.axis_index("s")
    iota = lax.iota(jnp.int32, 16)

    def init_const(v, _):
        base = v * 16
        offbuf[pl.ds(base, 16)] = iota + base
        valbuf[pl.ds(base, 16)] = jnp.zeros((16,), jnp.int32)
        return 0

    lax.fori_loop(0, _CAPT // 16, init_const, 0, unroll=4)

    @pl.when(sid == 0)
    def _():
        pltpu.sync_copy(valbuf.at[pl.ds(0, _CAP)], zeros_sp)

    plsc.subcore_barrier()

    def in_copies(b):
        p = lax.rem(b, 2)
        sbase = sid * _EPT + b * _SCAN_B
        return (
            pltpu.make_async_copy(idx_hbm.at[pl.ds(sbase, _SCAN_B)],
                                  stage_idx.at[pl.ds(p * _SCAN_B, _SCAN_B)],
                                  sem_in.at[p]),
            pltpu.make_async_copy(src_hbm.at[pl.ds(sbase, _SCAN_B)],
                                  stage_src.at[pl.ds(p * _SCAN_B, _SCAN_B)],
                                  sem_in.at[p]),
        )

    def chunk_body(gg, _):
        g = cid * (_NCHUNK // 2) + gg
        ebase = g * _CE
        sbase = sid * _EPT

        tbase = ebase + sid * _INIT_SLICE

        def rd_copy(i):
            p = lax.rem(i, 2)
            return pltpu.make_async_copy(
                inp_hbm.at[pl.ds(tbase + i * _PIECE, _PIECE)],
                stage_io.at[pl.ds(p * _PIECE, _PIECE)], sem_io.at[p])

        rd_copy(0).start()

        def init_piece(i, _):
            rd_copy(i).wait()

            @pl.when(i + 1 < _NPIECE)
            def _():
                rd_copy(i + 1).start()

            p = lax.rem(i, 2)
            pltpu.sync_copy(
                stage_io.at[pl.ds(p * _PIECE, _PIECE)],
                acc.at[pl.ds(sid * _INIT_SLICE + i * _PIECE, _PIECE)])
            return 0

        lax.fori_loop(0, _NPIECE, init_piece, 0)
        plsc.subcore_barrier()

        colmb = [iota + (jj * 16 - ebase) for jj in range(4)]

        def fl_copy(h):
            o = h * _CAP
            return pltpu.make_async_copy(
                valbuf.at[pl.ds(o, _CAP)],
                acc.at[offbuf.at[pl.ds(o, _CAP)]], sem_fl)

        def restore(h):
            pltpu.sync_copy(zeros_sp, valbuf.at[pl.ds(h * _CAP, _CAP)])

        def batch_body(b, fills):
            for c in in_copies(b):
                c.wait()

            @pl.when(b + 1 < _NBATCH)
            def _():
                for c in in_copies(b + 1):
                    c.start()

            vbase = lax.rem(b, 2) * _SCAN_B

            f15 = jnp.full((16,), 15, jnp.int32)
            neg1 = jnp.full((16,), -1, jnp.int32)

            def group_body(grp, carry):
                fills, pending, nf = carry
                hc = lax.rem(nf, 2)
                full = pending >= hc * _CAP + _FTH

                @pl.when(full)
                def _():
                    pl.when(nf >= 1)(lambda: fl_copy(1 - hc).wait())
                    restore(1 - hc)
                    fl_copy(hc).start()

                resetv = neg1 + (1 - hc) * _CAP
                nf = jnp.where(full, nf + 1, nf)
                fills = [jnp.where(full, resetv, f) for f in fills]
                m = fills[0]
                for k in range(1, _GRP):
                    m = jnp.maximum(m, fills[k])
                pending_next = jnp.max(m)
                base = vbase + grp * (16 * _GRP)
                rows_l = [stage_idx[pl.ds(base + j * 16, 16)]
                          for j in range(_GRP)]
                vals_l = [stage_src[pl.ds(base + j * 16, 16)]
                          for j in range(_GRP)]
                local_l = [(rows_l[j] << 6) + colmb[j % 4]
                           for j in range(_GRP)]
                mask_l = [local_l[j].astype(jnp.uint32) < jnp.uint32(_CE)
                          for j in range(_GRP)]
                cs_l = [jnp.cumsum(jnp.where(mask_l[j], 1, 0))
                        for j in range(_GRP)]
                pos0_l = [cs_l[j] + fills[j] for j in range(_GRP)]
                new_fills = [pos0_l[j].at[f15].get(mode="promise_in_bounds")
                             for j in range(_GRP)]
                for j in range(_GRP):
                    pos = pos0_l[j] + (j * _REG)
                    plsc.store_scatter(offbuf, [pos], local_l[j],
                                       mask=mask_l[j])
                    plsc.store_scatter(valbuf, [pos], vals_l[j],
                                       mask=mask_l[j])
                return new_fills, pending_next, nf

            return lax.fori_loop(0, _NGRP, group_body, fills)

        for c in in_copies(0):
            c.start()
        _, _, nf = lax.fori_loop(
            0, _NBATCH, batch_body,
            ([jnp.full((16,), -1, jnp.int32)] * _GRP,
             jnp.int32(0), jnp.int32(0)))
        hl = 1 - lax.rem(nf, 2)

        @pl.when(nf >= 1)
        def _():
            fl_copy(hl).wait()
            restore(hl)

        ha = lax.rem(nf, 2)
        pltpu.sync_copy(valbuf.at[pl.ds(ha * _CAP, _CAP)],
                        acc.at[offbuf.at[pl.ds(ha * _CAP, _CAP)]], add=True)
        restore(ha)
        plsc.subcore_barrier()

        def wr_copy(i):
            p = lax.rem(i, 2)
            return pltpu.make_async_copy(
                stage_io.at[pl.ds(p * _PIECE, _PIECE)],
                out_hbm.at[pl.ds(tbase + i * _PIECE, _PIECE)], sem_io.at[p])

        def wb_piece(i, _):
            pl.when(i >= 2)(lambda: wr_copy(i - 2).wait())
            p = lax.rem(i, 2)
            pltpu.sync_copy(
                acc.at[pl.ds(sid * _INIT_SLICE + i * _PIECE, _PIECE)],
                stage_io.at[pl.ds(p * _PIECE, _PIECE)])
            wr_copy(i).start()
            return 0

        lax.fori_loop(0, _NPIECE, wb_piece, 0)
        wr_copy(_NPIECE - 2).wait()
        wr_copy(_NPIECE - 1).wait()
        plsc.subcore_barrier()
        return 0

    lax.fori_loop(0, _NCHUNK // 2, chunk_body, 0)


def kernel(input, index, src):
    mesh = plsc.VectorSubcoreMesh(core_axis_name="c", subcore_axis_name="s")
    k = pl.kernel(
        _body,
        out_type=jax.ShapeDtypeStruct((_M * _D,), jnp.int32),
        mesh=mesh,
        compiler_params=pltpu.CompilerParams(needs_layout_passes=False),
        scratch_types=[
            pltpu.VMEM_SHARED((_CE,), jnp.int32),
            pltpu.VMEM_SHARED((_CAP,), jnp.int32),
            pltpu.VMEM((2 * _SCAN_B,), jnp.int32),
            pltpu.VMEM((2 * _SCAN_B,), jnp.int32),
            pltpu.VMEM((_CAPT,), jnp.int32),
            pltpu.VMEM((_CAPT,), jnp.int32),
            pltpu.VMEM((2 * _PIECE,), jnp.int32),
            pltpu.SemaphoreType.DMA((2,)),
            pltpu.SemaphoreType.DMA((2,)),
            pltpu.SemaphoreType.DMA,
        ],
    )
    out = k(input.reshape(-1), index.reshape(-1), src.reshape(-1))
    return out.reshape(_M, _D)

# --- scband reference (transcript-rebuilt; emitter-appended) ---
"""Pipeline reference for scband-scatter-reduce-int-module-48155173323391 (READ-ONLY COPY).

The authoritative reference and input builder live on the scoring server;
editing this copy changes nothing except your own understanding.
"""

import jax, jax.numpy as jnp
import numpy as np

M = 500000
D = 64
NSRC = 131072

def setup_inputs(seed: int = 0) -> dict:
    key = jax.random.key(seed)
    k1, k2, k3 = jax.random.split(key, 3)
    inp = jax.random.randint(k1, (M, D), 0, 100).astype(jnp.int32)
    # index values in [0, M); stored int32 in jax (values fit), semantics match torch int64 index
    index = jax.random.randint(k2, (NSRC, D), 0, M).astype(jnp.int32)
    src = jax.random.randint(k3, (NSRC, D), 0, 100).astype(jnp.int32)
    return {"input": inp, "index": index, "src": src}

def reference(input, index, src):
    # torch.ops.aten.scatter_reduce(input, 0, index, src, 'sum', include_self=True)
    # out[index[i, j], j] += src[i, j]; include_self=True keeps original input values as base.
    cols = jnp.arange(input.shape[1], dtype=index.dtype)[None, :]
    cols = jnp.broadcast_to(cols, index.shape)
    out = input.at[index, cols].add(src)
    return out

if __name__ == "__main__":
    import jax
    _d = setup_inputs()
    print(jax.jit(kernel)(*tuple(_d.values())))

</pallas_src>

<mosaic_0001>
#map = affine_map<(d0, d1) -> (0)>
module attributes {stable_mosaic.version = 14 : i64} {
  func.func @_body(%arg0: i32, %arg1: i32, %arg2: memref<32000000xi32, #tpu.memory_space<hbm>>, %arg3: memref<8388608xi32, #tpu.memory_space<hbm>>, %arg4: memref<8388608xi32, #tpu.memory_space<hbm>>, %arg5: memref<32000000xi32, #tpu.memory_space<hbm>>, %arg6: memref<1600000xi32, #tpu.memory_space<vmem_shared>>, %arg7: memref<1536xi32, #tpu.memory_space<vmem_shared>>, %arg8: memref<8192xi32, #tpu.memory_space<vmem>>, %arg9: memref<8192xi32, #tpu.memory_space<vmem>>, %arg10: memref<3072xi32, #tpu.memory_space<vmem>>, %arg11: memref<3072xi32, #tpu.memory_space<vmem>>, %arg12: memref<8000xi32, #tpu.memory_space<vmem>>, %arg13: memref<2x!tpu.dma_semaphore, #tpu.memory_space<semaphore_mem>>, %arg14: memref<2x!tpu.dma_semaphore, #tpu.memory_space<semaphore_mem>>, %arg15: memref<!tpu.dma_semaphore, #tpu.memory_space<semaphore_mem>>) attributes {dimension_semantics = [#tpu.dimension_semantics<core_parallel>, #tpu.dimension_semantics<subcore_parallel>], iteration_bounds = array<i64: 2, 16>, scalar_prefetch = 0 : i64, scratch_operands = 10 : i64, tpu.core_type = #tpu.core_type<sc_vector_subcore>, window_params = [{transform_indices = #map}, {transform_indices = #map}, {transform_indices = #map}, {transform_indices = #map}]} {
    %iota3A = tpu.iota {dimensions = array<i32: 0>} : vector<16xi32>
    %scan3A = arith.constant 0 : i32
    %scan3A_0 = arith.constant 0 : i32
    %scan3A_1 = arith.constant 192 : i32
    %scan3A_2 = arith.addi %scan3A_0, %scan3A_1 : i32
    %scan3A_3 = arith.constant 4 : i32
    %scan3A_4 = scf.for %scan3A_15 = %scan3A_0 to %scan3A_2 step %scan3A_3 iter_args(%scan3A_16 = %scan3A) -> (i32)  : i32 {
      %mul3A = arith.constant 16 : i32
      %mul3A_17 = arith.muli %scan3A_15, %mul3A : i32
      %add3A = vector.broadcast %mul3A_17 : i32 to vector<16xi32>
      %add3A_18 = arith.addi %iota3A, %add3A : vector<16xi32>
      %swap3A = arith.index_cast %mul3A_17 : i32 to index
      %swap3A_19 = tpu.vector_load %arg10[%swap3A] {strides = array<i32>} : memref<3072xi32, #tpu.memory_space<vmem>>, vector<16xi32>,
      tpu.vector_store %arg10[%swap3A], %add3A_18 {strides = array<i32>} : memref<3072xi32, #tpu.memory_space<vmem>>, vector<16xi32>,
      %broadcast_in_dim3A = arith.constant 0 : i32
      %broadcast_in_dim3A_20 = vector.broadcast %broadcast_in_dim3A : i32 to vector<16xi32>
      %swap3A_21 = arith.index_cast %mul3A_17 : i32 to index
      %swap3A_22 = tpu.vector_load %arg11[%swap3A_21] {strides = array<i32>} : memref<3072xi32, #tpu.memory_space<vmem>>, vector<16xi32>,
      tpu.vector_store %arg11[%swap3A_21], %broadcast_in_dim3A_20 {strides = array<i32>} : memref<3072xi32, #tpu.memory_space<vmem>>, vector<16xi32>,
      %scan3A_23 = arith.constant 0 : i32
      %scan3A_24 = arith.constant 1 : i32
      %scan3A_25 = arith.addi %scan3A_15, %scan3A_24 : i32
      %mul3A_26 = arith.constant 16 : i32
      %mul3A_27 = arith.muli %scan3A_25, %mul3A_26 : i32
      %add3A_28 = vector.broadcast %mul3A_27 : i32 to vector<16xi32>
      %add3A_29 = arith.addi %iota3A, %add3A_28 : vector<16xi32>
      %swap3A_30 = arith.index_cast %mul3A_27 : i32 to index
      %swap3A_31 = tpu.vector_load %arg10[%swap3A_30] {strides = array<i32>} : memref<3072xi32, #tpu.memory_space<vmem>>, vector<16xi32>,
      tpu.vector_store %arg10[%swap3A_30], %add3A_29 {strides = array<i32>} : memref<3072xi32, #tpu.memory_space<vmem>>, vector<16xi32>,
      %broadcast_in_dim3A_32 = arith.constant 0 : i32
      %broadcast_in_dim3A_33 = vector.broadcast %broadcast_in_dim3A_32 : i32 to vector<16xi32>
      %swap3A_34 = arith.index_cast %mul3A_27 : i32 to index
      %swap3A_35 = tpu.vector_load %arg11[%swap3A_34] {strides = array<i32>} : memref<3072xi32, #tpu.memory_space<vmem>>, vector<16xi32>,
      tpu.vector_store %arg11[%swap3A_34], %broadcast_in_dim3A_33 {strides = array<i32>} : memref<3072xi32, #tpu.memory_space<vmem>>, vector<16xi32>,
      %scan3A_36 = arith.constant 0 : i32
      %scan3A_37 = arith.constant 2 : i32
      %scan3A_38 = arith.addi %scan3A_15, %scan3A_37 : i32
      %mul3A_39 = arith.constant 16 : i32
      %mul3A_40 = arith.muli %scan3A_38, %mul3A_39 : i32
      %add3A_41 = vector.broadcast %mul3A_40 : i32 to vector<16xi32>
      %add3A_42 = arith.addi %iota3A, %add3A_41 : vector<16xi32>
      %swap3A_43 = arith.index_cast %mul3A_40 : i32 to index
      %swap3A_44 = tpu.vector_load %arg10[%swap3A_43] {strides = array<i32>} : memref<3072xi32, #tpu.memory_space<vmem>>, vector<16xi32>,
      tpu.vector_store %arg10[%swap3A_43], %add3A_42 {strides = array<i32>} : memref<3072xi32, #tpu.memory_space<vmem>>, vector<16xi32>,
      %broadcast_in_dim3A_45 = arith.constant 0 : i32
      %broadcast_in_dim3A_46 = vector.broadcast %broadcast_in_dim3A_45 : i32 to vector<16xi32>
      %swap3A_47 = arith.index_cast %mul3A_40 : i32 to index
      %swap3A_48 = tpu.vector_load %arg11[%swap3A_47] {strides = array<i32>} : memref<3072xi32, #tpu.memory_space<vmem>>, vector<16xi32>,
      tpu.vector_store %arg11[%swap3A_47], %broadcast_in_dim3A_46 {strides = array<i32>} : memref<3072xi32, #tpu.memory_space<vmem>>, vector<16xi32>,
      %scan3A_49 = arith.constant 0 : i32
      %scan3A_50 = arith.constant 3 : i32
      %scan3A_51 = arith.addi %scan3A_15, %scan3A_50 : i32
      %mul3A_52 = arith.constant 16 : i32
      %mul3A_53 = arith.muli %scan3A_51, %mul3A_52 : i32
      %add3A_54 = vector.broadcast %mul3A_53 : i32 to vector<16xi32>
      %add3A_55 = arith.addi %iota3A, %add3A_54 : vector<16xi32>
      %swap3A_56 = arith.index_cast %mul3A_53 : i32 to index
      %swap3A_57 = tpu.vector_load %arg10[%swap3A_56] {strides = array<i32>} : memref<3072xi32, #tpu.memory_space<vmem>>, vector<16xi32>,
      tpu.vector_store %arg10[%swap3A_56], %add3A_55 {strides = array<i32>} : memref<3072xi32, #tpu.memory_space<vmem>>, vector<16xi32>,
      %broadcast_in_dim3A_58 = arith.constant 0 : i32
      %broadcast_in_dim3A_59 = vector.broadcast %broadcast_in_dim3A_58 : i32 to vector<16xi32>
      %swap3A_60 = arith.index_cast %mul3A_53 : i32 to index
      %swap3A_61 = tpu.vector_load %arg11[%swap3A_60] {strides = array<i32>} : memref<3072xi32, #tpu.memory_space<vmem>>, vector<16xi32>,
      tpu.vector_store %arg11[%swap3A_60], %broadcast_in_dim3A_59 {strides = array<i32>} : memref<3072xi32, #tpu.memory_space<vmem>>, vector<16xi32>,
      %scan3A_62 = arith.constant 0 : i32
      scf.yield %scan3A_62 : i32
    }
    %scan3A_5 = arith.constant 192 : i32
    %eq3A = arith.constant 0 : i32
    %eq3A_6 = arith.cmpi eq, %arg1, %eq3A : i32
    %convert_element_type3A = arith.extui %eq3A_6 : i1 to i32
    %cond3A = arith.constant 0 : i32
    %cond3A_7 = arith.cmpi ne, %convert_element_type3A, %cond3A : i32
    scf.if %cond3A_7 {
      "tpu.region"() ({
        %run_scoped3A = tpu.sem_alloc : memref<!tpu.dma_semaphore, #tpu.memory_space<semaphore_mem>>
        %dma_start3A = arith.constant 0 : i32
        %dma_start3A_15 = tpu.memref_slice %arg11[%dma_start3A] : memref<3072xi32, #tpu.memory_space<vmem>> -> memref<1536xi32, #tpu.memory_space<vmem>>
        %dma_start3A_16 = arith.constant 0 : i32
        %dma_start3A_17 = tpu.memref_slice %arg11[%dma_start3A_16] : memref<3072xi32, #tpu.memory_space<vmem>> -> memref<1536xi32, #tpu.memory_space<vmem>>
        tpu.enqueue_dma source(%dma_start3A_17 : memref<1536xi32, #tpu.memory_space<vmem>>) target(%arg7 : memref<1536xi32, #tpu.memory_space<vmem_shared>>) target_semaphore(%run_scoped3A : memref<!tpu.dma_semaphore, #tpu.memory_space<semaphore_mem>>)
        %dma_wait3A = arith.constant 0 : i32
        %dma_wait3A_18 = tpu.memref_slice %arg11[%dma_wait3A] : memref<3072xi32, #tpu.memory_space<vmem>> -> memref<1536xi32, #tpu.memory_space<vmem>>
        %dma_wait3A_19 = arith.constant 0 : i32
        %dma_wait3A_20 = tpu.memref_slice %arg11[%dma_wait3A_19] : memref<3072xi32, #tpu.memory_space<vmem>> -> memref<1536xi32, #tpu.memory_space<vmem>>
        tpu.wait_dma2 semaphore(%run_scoped3A : memref<!tpu.dma_semaphore, #tpu.memory_space<semaphore_mem>>) src(%dma_wait3A_20 : memref<1536xi32, #tpu.memory_space<vmem>>) dst(%arg7 : memref<1536xi32, #tpu.memory_space<vmem_shared>>)
        tpu.yield
      }) : () -> ()
    } else {
    }
    %barrier3A = arith.constant 0 : index
    tpu.barrier barrier_id(%barrier3A)
    %scan3A_8 = arith.constant 0 : i32
    %scan3A_9 = arith.constant 0 : i32
    %scan3A_10 = arith.constant 10 : i32
    %scan3A_11 = arith.addi %scan3A_9, %scan3A_10 : i32
    %scan3A_12 = arith.constant 1 : i32
    %scan3A_13 = scf.for %scan3A_15 = %scan3A_9 to %scan3A_11 step %scan3A_12 iter_args(%scan3A_16 = %scan3A_8) -> (i32)  : i32 {
      %mul3A = arith.constant 10 : i32
      %mul3A_17 = arith.muli %arg0, %mul3A : i32
      %add3A = arith.addi %mul3A_17, %scan3A_15 : i32
      %mul3A_18 = arith.constant 1600000 : i32
      %mul3A_19 = arith.muli %add3A, %mul3A_18 : i32
      %mul3A_20 = arith.constant 524288 : i32
      %mul3A_21 = arith.muli %arg1, %mul3A_20 : i32
      %mul3A_22 = arith.constant 100000 : i32
      %mul3A_23 = arith.muli %arg1, %mul3A_22 : i32
      %add3A_24 = arith.addi %mul3A_19, %mul3A_23 : i32
      %rem3A = arith.constant 0 : i32
      %rem3A_25 = arith.constant 2 : i32
      %rem3A_26 = arith.remsi %rem3A, %rem3A_25 : i32
      %add3A_27 = arith.constant 0 : i32
      %add3A_28 = arith.addi %add3A_24, %add3A_27 : i32
      %mul3A_29 = arith.constant 4000 : i32
      %mul3A_30 = arith.muli %rem3A_26, %mul3A_29 : i32
      %dma_start3A = tpu.memref_slice %arg12[%mul3A_30] : memref<8000xi32, #tpu.memory_space<vmem>> -> memref<4000xi32, #tpu.memory_space<vmem>>
      %dma_start3A_31 = tpu.memref_slice %arg2[%add3A_28] : memref<32000000xi32, #tpu.memory_space<hbm>> -> memref<4000xi32, #tpu.memory_space<hbm>>
      %dma_start3A_32 = tpu.memref_slice %arg14[%rem3A_26] : memref<2x!tpu.dma_semaphore, #tpu.memory_space<semaphore_mem>> -> memref<1x!tpu.dma_semaphore, #tpu.memory_space<semaphore_mem>>
      %dma_start3A_33 = tpu.memref_squeeze %dma_start3A_32 : memref<1x!tpu.dma_semaphore, #tpu.memory_space<semaphore_mem>> -> memref<!tpu.dma_semaphore, #tpu.memory_space<semaphore_mem>>
      %dma_start3A_34 = tpu.memref_slice %arg12[%mul3A_30] : memref<8000xi32, #tpu.memory_space<vmem>> -> memref<4000xi32, #tpu.memory_space<vmem>>
      %dma_start3A_35 = tpu.memref_slice %arg2[%add3A_28] : memref<32000000xi32, #tpu.memory_space<hbm>> -> memref<4000xi32, #tpu.memory_space<hbm>>
      tpu.enqueue_dma source(%dma_start3A_35 : memref<4000xi32, #tpu.memory_space<hbm>>) target(%dma_start3A_34 : memref<4000xi32, #tpu.memory_space<vmem>>) target_semaphore(%dma_start3A_33 : memref<!tpu.dma_semaphore, #tpu.memory_space<semaphore_mem>>)
      %scan3A_36 = arith.constant 0 : i32
      %scan3A_37 = arith.constant 0 : i32
      %scan3A_38 = arith.constant 25 : i32
      %scan3A_39 = arith.addi %scan3A_37, %scan3A_38 : i32
      %scan3A_40 = arith.constant 1 : i32
      %scan3A_41 = scf.for %scan3A_142 = %scan3A_37 to %scan3A_39 step %scan3A_40 iter_args(%scan3A_143 = %scan3A_36) -> (i32)  : i32 {
        %rem3A_144 = arith.constant 2 : i32
        %rem3A_145 = arith.remsi %scan3A_142, %rem3A_144 : i32
        %mul3A_146 = arith.constant 4000 : i32
        %mul3A_147 = arith.muli %scan3A_142, %mul3A_146 : i32
        %add3A_148 = arith.addi %add3A_24, %mul3A_147 : i32
        %mul3A_149 = arith.constant 4000 : i32
        %mul3A_150 = arith.muli %rem3A_145, %mul3A_149 : i32
        %dma_wait3A_151 = tpu.memref_slice %arg12[%mul3A_150] : memref<8000xi32, #tpu.memory_space<vmem>> -> memref<4000xi32, #tpu.memory_space<vmem>>
        %dma_wait3A_152 = tpu.memref_slice %arg2[%add3A_148] : memref<32000000xi32, #tpu.memory_space<hbm>> -> memref<4000xi32, #tpu.memory_space<hbm>>
        %dma_wait3A_153 = tpu.memref_slice %arg14[%rem3A_145] : memref<2x!tpu.dma_semaphore, #tpu.memory_space<semaphore_mem>> -> memref<1x!tpu.dma_semaphore, #tpu.memory_space<semaphore_mem>>
        %dma_wait3A_154 = tpu.memref_squeeze %dma_wait3A_153 : memref<1x!tpu.dma_semaphore, #tpu.memory_space<semaphore_mem>> -> memref<!tpu.dma_semaphore, #tpu.memory_space<semaphore_mem>>
        %dma_wait3A_155 = tpu.memref_slice %arg12[%mul3A_150] : memref<8000xi32, #tpu.memory_space<vmem>> -> memref<4000xi32, #tpu.memory_space<vmem>>
        %dma_wait3A_156 = tpu.memref_slice %arg2[%add3A_148] : memref<32000000xi32, #tpu.memory_space<hbm>> -> memref<4000xi32, #tpu.memory_space<hbm>>
        tpu.wait_dma2 semaphore(%dma_wait3A_154 : memref<!tpu.dma_semaphore, #tpu.memory_space<semaphore_mem>>) src(%dma_wait3A_156 : memref<4000xi32, #tpu.memory_space<hbm>>) dst(%dma_wait3A_155 : memref<4000xi32, #tpu.memory_space<vmem>>)
        %add3A_157 = arith.constant 1 : i32
        %add3A_158 = arith.addi %scan3A_142, %add3A_157 : i32
        %lt3A = arith.constant 25 : i32
        %lt3A_159 = arith.cmpi slt, %add3A_158, %lt3A : i32
        %convert_element_type3A_160 = arith.extui %lt3A_159 : i1 to i32
        %cond3A_161 = arith.constant 0 : i32
        %cond3A_162 = arith.cmpi ne, %convert_element_type3A_160, %cond3A_161 : i32
        scf.if %cond3A_162 {
          %add3A_173 = arith.constant 1 : i32
          %add3A_174 = arith.addi %scan3A_142, %add3A_173 : i32
          %rem3A_175 = arith.constant 2 : i32
          %rem3A_176 = arith.remsi %add3A_174, %rem3A_175 : i32
          %mul3A_177 = arith.constant 4000 : i32
          %mul3A_178 = arith.muli %add3A_174, %mul3A_177 : i32
          %add3A_179 = arith.addi %add3A_24, %mul3A_178 : i32
          %mul3A_180 = arith.constant 4000 : i32
          %mul3A_181 = arith.muli %rem3A_176, %mul3A_180 : i32
          %dma_start3A_182 = tpu.memref_slice %arg12[%mul3A_181] : memref<8000xi32, #tpu.memory_space<vmem>> -> memref<4000xi32, #tpu.memory_space<vmem>>
          %dma_start3A_183 = tpu.memref_slice %arg2[%add3A_179] : memref<32000000xi32, #tpu.memory_space<hbm>> -> memref<4000xi32, #tpu.memory_space<hbm>>
          %dma_start3A_184 = tpu.memref_slice %arg14[%rem3A_176] : memref<2x!tpu.dma_semaphore, #tpu.memory_space<semaphore_mem>> -> memref<1x!tpu.dma_semaphore, #tpu.memory_space<semaphore_mem>>
          %dma_start3A_185 = tpu.memref_squeeze %dma_start3A_184 : memref<1x!tpu.dma_semaphore, #tpu.memory_space<semaphore_mem>> -> memref<!tpu.dma_semaphore, #tpu.memory_space<semaphore_mem>>
          %dma_start3A_186 = tpu.memref_slice %arg12[%mul3A_181] : memref<8000xi32, #tpu.memory_space<vmem>> -> memref<4000xi32, #tpu.memory_space<vmem>>
          %dma_start3A_187 = tpu.memref_slice %arg2[%add3A_179] : memref<32000000xi32, #tpu.memory_space<hbm>> -> memref<4000xi32, #tpu.memory_space<hbm>>
          tpu.enqueue_dma source(%dma_start3A_187 : memref<4000xi32, #tpu.memory_space<hbm>>) target(%dma_start3A_186 : memref<4000xi32, #tpu.memory_space<vmem>>) target_semaphore(%dma_start3A_185 : memref<!tpu.dma_semaphore, #tpu.memory_space<semaphore_mem>>)
        } else {
        }
        %rem3A_163 = arith.constant 2 : i32
        %rem3A_164 = arith.remsi %scan3A_142, %rem3A_163 : i32
        %mul3A_165 = arith.constant 4000 : i32
        %mul3A_166 = arith.muli %rem3A_164, %mul3A_165 : i32
        %mul3A_167 = arith.constant 100000 : i32
        %mul3A_168 = arith.muli %arg1, %mul3A_167 : i32
        %mul3A_169 = arith.constant 4000 : i32
        %mul3A_170 = arith.muli %scan3A_142, %mul3A_169 : i32
        %add3A_171 = arith.addi %mul3A_168, %mul3A_170 : i32
        "tpu.region"() ({
          %run_scoped3A = tpu.sem_alloc : memref<!tpu.dma_semaphore, #tpu.memory_space<semaphore_mem>>
          %dma_start3A_173 = tpu.memref_slice %arg12[%mul3A_166] : memref<8000xi32, #tpu.memory_space<vmem>> -> memref<4000xi32, #tpu.memory_space<vmem>>
          %dma_start3A_174 = tpu.memref_slice %arg6[%add3A_171] : memref<1600000xi32, #tpu.memory_space<vmem_shared>> -> memref<4000xi32, #tpu.memory_space<vmem_shared>>
          %dma_start3A_175 = tpu.memref_slice %arg6[%add3A_171] : memref<1600000xi32, #tpu.memory_space<vmem_shared>> -> memref<4000xi32, #tpu.memory_space<vmem_shared>>
          %dma_start3A_176 = tpu.memref_slice %arg12[%mul3A_166] : memref<8000xi32, #tpu.memory_space<vmem>> -> memref<4000xi32, #tpu.memory_space<vmem>>
          tpu.enqueue_dma source(%dma_start3A_176 : memref<4000xi32, #tpu.memory_space<vmem>>) target(%dma_start3A_175 : memref<4000xi32, #tpu.memory_space<vmem_shared>>) target_semaphore(%run_scoped3A : memref<!tpu.dma_semaphore, #tpu.memory_space<semaphore_mem>>)
          %dma_wait3A_177 = tpu.memref_slice %arg12[%mul3A_166] : memref<8000xi32, #tpu.memory_space<vmem>> -> memref<4000xi32, #tpu.memory_space<vmem>>
          %dma_wait3A_178 = tpu.memref_slice %arg6[%add3A_171] : memref<1600000xi32, #tpu.memory_space<vmem_shared>> -> memref<4000xi32, #tpu.memory_space<vmem_shared>>
          %dma_wait3A_179 = tpu.memref_slice %arg6[%add3A_171] : memref<1600000xi32, #tpu.memory_space<vmem_shared>> -> memref<4000xi32, #tpu.memory_space<vmem_shared>>
          %dma_wait3A_180 = tpu.memref_slice %arg12[%mul3A_166] : memref<8000xi32, #tpu.memory_space<vmem>> -> memref<4000xi32, #tpu.memory_space<vmem>>
          tpu.wait_dma2 semaphore(%run_scoped3A : memref<!tpu.dma_semaphore, #tpu.memory_space<semaphore_mem>>) src(%dma_wait3A_180 : memref<4000xi32, #tpu.memory_space<vmem>>) dst(%dma_wait3A_179 : memref<4000xi32, #tpu.memory_space<vmem_shared>>)
          tpu.yield
        }) : () -> ()
        %scan3A_172 = arith.constant 0 : i32
        scf.yield %scan3A_172 : i32
      }
      %scan3A_42 = arith.constant 25 : i32
      %barrier3A_43 = arith.constant 0 : index
      tpu.barrier barrier_id(%barrier3A_43)
      %sub3A = arith.constant 0 : i32
      %sub3A_44 = arith.subi %sub3A, %mul3A_19 : i32
      %add3A_45 = vector.broadcast %sub3A_44 : i32 to vector<16xi32>
      %add3A_46 = arith.addi %iota3A, %add3A_45 : vector<16xi32>
      %sub3A_47 = arith.constant 16 : i32
      %sub3A_48 = arith.subi %sub3A_47, %mul3A_19 : i32
      %add3A_49 = vector.broadcast %sub3A_48 : i32 to vector<16xi32>
      %add3A_50 = arith.addi %iota3A, %add3A_49 : vector<16xi32>
      %sub3A_51 = arith.constant 32 : i32
      %sub3A_52 = arith.subi %sub3A_51, %mul3A_19 : i32
      %add3A_53 = vector.broadcast %sub3A_52 : i32 to vector<16xi32>
      %add3A_54 = arith.addi %iota3A, %add3A_53 : vector<16xi32>
      %sub3A_55 = arith.constant 48 : i32
      %sub3A_56 = arith.subi %sub3A_55, %mul3A_19 : i32
      %add3A_57 = vector.broadcast %sub3A_56 : i32 to vector<16xi32>
      %add3A_58 = arith.addi %iota3A, %add3A_57 : vector<16xi32>
      %rem3A_59 = arith.constant 0 : i32
      %rem3A_60 = arith.constant 2 : i32
      %rem3A_61 = arith.remsi %rem3A_59, %rem3A_60 : i32
      %mul3A_62 = arith.constant 524288 : i32
      %mul3A_63 = arith.muli %arg1, %mul3A_62 : i32
      %add3A_64 = arith.constant 0 : i32
      %add3A_65 = arith.addi %mul3A_63, %add3A_64 : i32
      %mul3A_66 = arith.constant 4096 : i32
      %mul3A_67 = arith.muli %rem3A_61, %mul3A_66 : i32
      %mul3A_68 = arith.constant 4096 : i32
      %mul3A_69 = arith.muli %rem3A_61, %mul3A_68 : i32
      %dma_start3A_70 = tpu.memref_slice %arg8[%mul3A_67] : memref<8192xi32, #tpu.memory_space<vmem>> -> memref<4096xi32, #tpu.memory_space<vmem>>
      %dma_start3A_71 = tpu.memref_slice %arg3[%add3A_65] : memref<8388608xi32, #tpu.memory_space<hbm>> -> memref<4096xi32, #tpu.memory_space<hbm>>
      %dma_start3A_72 = tpu.memref_slice %arg13[%rem3A_61] : memref<2x!tpu.dma_semaphore, #tpu.memory_space<semaphore_mem>> -> memref<1x!tpu.dma_semaphore, #tpu.memory_space<semaphore_mem>>
      %dma_start3A_73 = tpu.memref_squeeze %dma_start3A_72 : memref<1x!tpu.dma_semaphore, #tpu.memory_space<semaphore_mem>> -> memref<!tpu.dma_semaphore, #tpu.memory_space<semaphore_mem>>
      %dma_start3A_74 = tpu.memref_slice %arg8[%mul3A_67] : memref<8192xi32, #tpu.memory_space<vmem>> -> memref<4096xi32, #tpu.memory_space<vmem>>
      %dma_start3A_75 = tpu.memref_slice %arg3[%add3A_65] : memref<8388608xi32, #tpu.memory_space<hbm>> -> memref<4096xi32, #tpu.memory_space<hbm>>
      tpu.enqueue_dma source(%dma_start3A_75 : memref<4096xi32, #tpu.memory_space<hbm>>) target(%dma_start3A_74 : memref<4096xi32, #tpu.memory_space<vmem>>) target_semaphore(%dma_start3A_73 : memref<!tpu.dma_semaphore, #tpu.memory_space<semaphore_mem>>)
      %dma_start3A_76 = tpu.memref_slice %arg9[%mul3A_69] : memref<8192xi32, #tpu.memory_space<vmem>> -> memref<4096xi32, #tpu.memory_space<vmem>>
      %dma_start3A_77 = tpu.memref_slice %arg4[%add3A_65] : memref<8388608xi32, #tpu.memory_space<hbm>> -> memref<4096xi32, #tpu.memory_space<hbm>>
      %dma_start3A_78 = tpu.memref_slice %arg13[%rem3A_61] : memref<2x!tpu.dma_semaphore, #tpu.memory_space<semaphore_mem>> -> memref<1x!tpu.dma_semaphore, #tpu.memory_space<semaphore_mem>>
      %dma_start3A_79 = tpu.memref_squeeze %dma_start3A_78 : memref<1x!tpu.dma_semaphore, #tpu.memory_space<semaphore_mem>> -> memref<!tpu.dma_semaphore, #tpu.memory_space<semaphore_mem>>
      %dma_start3A_80 = tpu.memref_slice %arg9[%mul3A_69] : memref<8192xi32, #tpu.memory_space<vmem>> -> memref<4096xi32, #tpu.memory_space<vmem>>
      %dma_start3A_81 = tpu.memref_slice %arg4[%add3A_65] : memref<8388608xi32, #tpu.memory_space<hbm>> -> memref<4096xi32, #tpu.memory_space<hbm>>
      tpu.enqueue_dma source(%dma_start3A_81 : memref<4096xi32, #tpu.memory_space<hbm>>) target(%dma_start3A_80 : memref<4096xi32, #tpu.memory_space<vmem>>) target_semaphore(%dma_start3A_79 : memref<!tpu.dma_semaphore, #tpu.memory_space<semaphore_mem>>)
      %broadcast_in_dim3A = arith.constant -1 : i32
      %broadcast_in_dim3A_82 = vector.broadcast %broadcast_in_dim3A : i32 to vector<16xi32>
      %scan3A_83 = arith.constant 0 : i32
      %scan3A_84 = arith.constant 0 : i32
      %scan3A_85 = arith.constant 0 : i32
      %scan3A_86 = arith.constant 128 : i32
      %scan3A_87 = arith.addi %scan3A_85, %scan3A_86 : i32
      %scan3A_88 = arith.constant 1 : i32
      %scan3A_89:18 = scf.for %scan3A_142 = %scan3A_85 to %scan3A_87 step %scan3A_88 iter_args(%scan3A_143 = %broadcast_in_dim3A_82, %scan3A_144 = %broadcast_in_dim3A_82, %scan3A_145 = %broadcast_in_dim3A_82, %scan3A_146 = %broadcast_in_dim3A_82, %scan3A_147 = %broadcast_in_dim3A_82, %scan3A_148 = %broadcast_in_dim3A_82, %scan3A_149 = %broadcast_in_dim3A_82, %scan3A_150 = %broadcast_in_dim3A_82, %scan3A_151 = %broadcast_in_dim3A_82, %scan3A_152 = %broadcast_in_dim3A_82, %scan3A_153 = %broadcast_in_dim3A_82, %scan3A_154 = %broadcast_in_dim3A_82, %scan3A_155 = %broadcast_in_dim3A_82, %scan3A_156 = %broadcast_in_dim3A_82, %scan3A_157 = %broadcast_in_dim3A_82, %scan3A_158 = %broadcast_in_dim3A_82, %scan3A_159 = %scan3A_83, %scan3A_160 = %scan3A_84) -> (vector<16xi32>, vector<16xi32>, vector<16xi32>, vector<16xi32>, vector<16xi32>, vector<16xi32>, vector<16xi32>, vector<16xi32>, vector<16xi32>, vector<16xi32>, vector<16xi32>, vector<16xi32>, vector<16xi32>, vector<16xi32>, vector<16xi32>, vector<16xi32>, i32, i32)  : i32 {
        %rem3A_161 = arith.constant 2 : i32
        %rem3A_162 = arith.remsi %scan3A_142, %rem3A_161 : i32
        %mul3A_163 = arith.constant 524288 : i32
        %mul3A_164 = arith.muli %arg1, %mul3A_163 : i32
        %mul3A_165 = arith.constant 4096 : i32
        %mul3A_166 = arith.muli %scan3A_142, %mul3A_165 : i32
        %add3A_167 = arith.addi %mul3A_164, %mul3A_166 : i32
        %mul3A_168 = arith.constant 4096 : i32
        %mul3A_169 = arith.muli %rem3A_162, %mul3A_168 : i32
        %mul3A_170 = arith.constant 4096 : i32
        %mul3A_171 = arith.muli %rem3A_162, %mul3A_170 : i32
        %dma_wait3A_172 = tpu.memref_slice %arg8[%mul3A_169] : memref<8192xi32, #tpu.memory_space<vmem>> -> memref<4096xi32, #tpu.memory_space<vmem>>
        %dma_wait3A_173 = tpu.memref_slice %arg3[%add3A_167] : memref<8388608xi32, #tpu.memory_space<hbm>> -> memref<4096xi32, #tpu.memory_space<hbm>>
        %dma_wait3A_174 = tpu.memref_slice %arg13[%rem3A_162] : memref<2x!tpu.dma_semaphore, #tpu.memory_space<semaphore_mem>> -> memref<1x!tpu.dma_semaphore, #tpu.memory_space<semaphore_mem>>
        %dma_wait3A_175 = tpu.memref_squeeze %dma_wait3A_174 : memref<1x!tpu.dma_semaphore, #tpu.memory_space<semaphore_mem>> -> memref<!tpu.dma_semaphore, #tpu.memory_space<semaphore_mem>>
        %dma_wait3A_176 = tpu.memref_slice %arg8[%mul3A_169] : memref<8192xi32, #tpu.memory_space<vmem>> -> memref<4096xi32, #tpu.memory_space<vmem>>
        %dma_wait3A_177 = tpu.memref_slice %arg3[%add3A_167] : memref<8388608xi32, #tpu.memory_space<hbm>> -> memref<4096xi32, #tpu.memory_space<hbm>>
        tpu.wait_dma2 semaphore(%dma_wait3A_175 : memref<!tpu.dma_semaphore, #tpu.memory_space<semaphore_mem>>) src(%dma_wait3A_177 : memref<4096xi32, #tpu.memory_space<hbm>>) dst(%dma_wait3A_176 : memref<4096xi32, #tpu.memory_space<vmem>>)
        %dma_wait3A_178 = tpu.memref_slice %arg9[%mul3A_171] : memref<8192xi32, #tpu.memory_space<vmem>> -> memref<4096xi32, #tpu.memory_space<vmem>>
        %dma_wait3A_179 = tpu.memref_slice %arg4[%add3A_167] : memref<8388608xi32, #tpu.memory_space<hbm>> -> memref<4096xi32, #tpu.memory_space<hbm>>
        %dma_wait3A_180 = tpu.memref_slice %arg13[%rem3A_162] : memref<2x!tpu.dma_semaphore, #tpu.memory_space<semaphore_mem>> -> memref<1x!tpu.dma_semaphore, #tpu.memory_space<semaphore_mem>>
        %dma_wait3A_181 = tpu.memref_squeeze %dma_wait3A_180 : memref<1x!tpu.dma_semaphore, #tpu.memory_space<semaphore_mem>> -> memref<!tpu.dma_semaphore, #tpu.memory_space<semaphore_mem>>
        %dma_wait3A_182 = tpu.memref_slice %arg9[%mul3A_171] : memref<8192xi32, #tpu.memory_space<vmem>> -> memref<4096xi32, #tpu.memory_space<vmem>>
        %dma_wait3A_183 = tpu.memref_slice %arg4[%add3A_167] : memref<8388608xi32, #tpu.memory_space<hbm>> -> memref<4096xi32, #tpu.memory_space<hbm>>
        tpu.wait_dma2 semaphore(%dma_wait3A_181 : memref<!tpu.dma_semaphore, #tpu.memory_space<semaphore_mem>>) src(%dma_wait3A_183 : memref<4096xi32, #tpu.memory_space<hbm>>) dst(%dma_wait3A_182 : memref<4096xi32, #tpu.memory_space<vmem>>)
        %add3A_184 = arith.constant 1 : i32
        %add3A_185 = arith.addi %scan3A_142, %add3A_184 : i32
        %lt3A = arith.constant 128 : i32
        %lt3A_186 = arith.cmpi slt, %add3A_185, %lt3A : i32
        %convert_element_type3A_187 = arith.extui %lt3A_186 : i1 to i32
        %cond3A_188 = arith.constant 0 : i32
        %cond3A_189 = arith.cmpi ne, %convert_element_type3A_187, %cond3A_188 : i32
        scf.if %cond3A_189 {
          %add3A_204 = arith.constant 1 : i32
          %add3A_205 = arith.addi %scan3A_142, %add3A_204 : i32
          %rem3A_206 = arith.constant 2 : i32
          %rem3A_207 = arith.remsi %add3A_205, %rem3A_206 : i32
          %mul3A_208 = arith.constant 524288 : i32
          %mul3A_209 = arith.muli %arg1, %mul3A_208 : i32
          %mul3A_210 = arith.constant 4096 : i32
          %mul3A_211 = arith.muli %add3A_205, %mul3A_210 : i32
          %add3A_212 = arith.addi %mul3A_209, %mul3A_211 : i32
          %mul3A_213 = arith.constant 4096 : i32
          %mul3A_214 = arith.muli %rem3A_207, %mul3A_213 : i32
          %mul3A_215 = arith.constant 4096 : i32
          %mul3A_216 = arith.muli %rem3A_207, %mul3A_215 : i32
          %dma_start3A_217 = tpu.memref_slice %arg8[%mul3A_214] : memref<8192xi32, #tpu.memory_space<vmem>> -> memref<4096xi32, #tpu.memory_space<vmem>>
          %dma_start3A_218 = tpu.memref_slice %arg3[%add3A_212] : memref<8388608xi32, #tpu.memory_space<hbm>> -> memref<4096xi32, #tpu.memory_space<hbm>>
          %dma_start3A_219 = tpu.memref_slice %arg13[%rem3A_207] : memref<2x!tpu.dma_semaphore, #tpu.memory_space<semaphore_mem>> -> memref<1x!tpu.dma_semaphore, #tpu.memory_space<semaphore_mem>>
          %dma_start3A_220 = tpu.memref_squeeze %dma_start3A_219 : memref<1x!tpu.dma_semaphore, #tpu.memory_space<semaphore_mem>> -> memref<!tpu.dma_semaphore, #tpu.memory_space<semaphore_mem>>
          %dma_start3A_221 = tpu.memref_slice %arg8[%mul3A_214] : memref<8192xi32, #tpu.memory_space<vmem>> -> memref<4096xi32, #tpu.memory_space<vmem>>
          %dma_start3A_222 = tpu.memref_slice %arg3[%add3A_212] : memref<8388608xi32, #tpu.memory_space<hbm>> -> memref<4096xi32, #tpu.memory_space<hbm>>
          tpu.enqueue_dma source(%dma_start3A_222 : memref<4096xi32, #tpu.memory_space<hbm>>) target(%dma_start3A_221 : memref<4096xi32, #tpu.memory_space<vmem>>) target_semaphore(%dma_start3A_220 : memref<!tpu.dma_semaphore, #tpu.memory_space<semaphore_mem>>)
          %dma_start3A_223 = tpu.memref_slice %arg9[%mul3A_216] : memref<8192xi32, #tpu.memory_space<vmem>> -> memref<4096xi32, #tpu.memory_space<vmem>>
          %dma_start3A_224 = tpu.memref_slice %arg4[%add3A_212] : memref<8388608xi32, #tpu.memory_space<hbm>> -> memref<4096xi32, #tpu.memory_space<hbm>>
          %dma_start3A_225 = tpu.memref_slice %arg13[%rem3A_207] : memref<2x!tpu.dma_semaphore, #tpu.memory_space<semaphore_mem>> -> memref<1x!tpu.dma_semaphore, #tpu.memory_space<semaphore_mem>>
          %dma_start3A_226 = tpu.memref_squeeze %dma_start3A_225 : memref<1x!tpu.dma_semaphore, #tpu.memory_space<semaphore_mem>> -> memref<!tpu.dma_semaphore, #tpu.memory_space<semaphore_mem>>
          %dma_start3A_227 = tpu.memref_slice %arg9[%mul3A_216] : memref<8192xi32, #tpu.memory_space<vmem>> -> memref<4096xi32, #tpu.memory_space<vmem>>
          %dma_start3A_228 = tpu.memref_slice %arg4[%add3A_212] : memref<8388608xi32, #tpu.memory_space<hbm>> -> memref<4096xi32, #tpu.memory_space<hbm>>
          tpu.enqueue_dma source(%dma_start3A_228 : memref<4096xi32, #tpu.memory_space<hbm>>) target(%dma_start3A_227 : memref<4096xi32, #tpu.memory_space<vmem>>) target_semaphore(%dma_start3A_226 : memref<!tpu.dma_semaphore, #tpu.memory_space<semaphore_mem>>)
        } else {
        }
        %rem3A_190 = arith.constant 2 : i32
        %rem3A_191 = arith.remsi %scan3A_142, %rem3A_190 : i32
        %mul3A_192 = arith.constant 4096 : i32
        %mul3A_193 = arith.muli %rem3A_191, %mul3A_192 : i32
        %broadcast_in_dim3A_194 = arith.constant 15 : i32
        %broadcast_in_dim3A_195 = vector.broadcast %broadcast_in_dim3A_194 : i32 to vector<16xi32>
        %broadcast_in_dim3A_196 = arith.constant -1 : i32
        %broadcast_in_dim3A_197 = vector.broadcast %broadcast_in_dim3A_196 : i32 to vector<16xi32>
        %scan3A_198 = arith.constant 0 : i32
        %scan3A_199 = arith.constant 16 : i32
        %scan3A_200 = arith.addi %scan3A_198, %scan3A_199 : i32
        %scan3A_201 = arith.constant 1 : i32
        %scan3A_202:18 = scf.for %scan3A_204 = %scan3A_198 to %scan3A_200 step %scan3A_201 iter_args(%scan3A_205 = %scan3A_143, %scan3A_206 = %scan3A_144, %scan3A_207 = %scan3A_145, %scan3A_208 = %scan3A_146, %scan3A_209 = %scan3A_147, %scan3A_210 = %scan3A_148, %scan3A_211 = %scan3A_149, %scan3A_212 = %scan3A_150, %scan3A_213 = %scan3A_151, %scan3A_214 = %scan3A_152, %scan3A_215 = %scan3A_153, %scan3A_216 = %scan3A_154, %scan3A_217 = %scan3A_155, %scan3A_218 = %scan3A_156, %scan3A_219 = %scan3A_157, %scan3A_220 = %scan3A_158, %scan3A_221 = %scan3A_159, %scan3A_222 = %scan3A_160) -> (vector<16xi32>, vector<16xi32>, vector<16xi32>, vector<16xi32>, vector<16xi32>, vector<16xi32>, vector<16xi32>, vector<16xi32>, vector<16xi32>, vector<16xi32>, vector<16xi32>, vector<16xi32>, vector<16xi32>, vector<16xi32>, vector<16xi32>, vector<16xi32>, i32, i32)  : i32 {
          %rem3A_223 = arith.constant 2 : i32
          %rem3A_224 = arith.remsi %scan3A_222, %rem3A_223 : i32
          %mul3A_225 = arith.constant 1536 : i32
          %mul3A_226 = arith.muli %rem3A_224, %mul3A_225 : i32
          %add3A_227 = arith.constant 64 : i32
          %add3A_228 = arith.addi %mul3A_226, %add3A_227 : i32
          %ge3A_229 = arith.cmpi sge, %scan3A_221, %add3A_228 : i32
          %convert_element_type3A_230 = arith.extui %ge3A_229 : i1 to i32
          %cond3A_231 = arith.constant 0 : i32
          %cond3A_232 = arith.cmpi ne, %convert_element_type3A_230, %cond3A_231 : i32
          scf.if %cond3A_232 {
            %ge3A_868 = arith.constant 1 : i32
            %ge3A_869 = arith.cmpi sge, %scan3A_222, %ge3A_868 : i32
            %convert_element_type3A_870 = arith.extui %ge3A_869 : i1 to i32
            %cond3A_871 = arith.constant 0 : i32
            %cond3A_872 = arith.cmpi ne, %convert_element_type3A_870, %cond3A_871 : i32
            scf.if %cond3A_872 {
              %sub3A_883 = arith.constant 1 : i32
              %sub3A_884 = arith.subi %sub3A_883, %rem3A_224 : i32
              %mul3A_885 = arith.constant 1536 : i32
              %mul3A_886 = arith.muli %sub3A_884, %mul3A_885 : i32
              %dma_wait3A_887 = tpu.memref_slice %arg11[%mul3A_886] : memref<3072xi32, #tpu.memory_space<vmem>> -> memref<1536xi32, #tpu.memory_space<vmem>>
              %dma_wait3A_888 = tpu.memref_slice %arg10[%mul3A_886] : memref<3072xi32, #tpu.memory_space<vmem>> -> memref<1536xi32, #tpu.memory_space<vmem>>
              %dma_wait3A_889 = arith.constant 0 : i32
              %dma_wait3A_890 = tpu.memref_slice %arg6[%dma_wait3A_889] : memref<1600000xi32, #tpu.memory_space<vmem_shared>> -> memref<1600000xi32, #tpu.memory_space<vmem_shared>>
              tpu.wait_indirect_dma semaphore(%arg15 : memref<!tpu.dma_semaphore, #tpu.memory_space<semaphore_mem>>) src(%dma_wait3A_887 : memref<1536xi32, #tpu.memory_space<vmem>>) dst(%dma_wait3A_890 : memref<1600000xi32, #tpu.memory_space<vmem_shared>>)
            } else {
            }
            %sub3A_873 = arith.constant 1 : i32
            %sub3A_874 = arith.subi %sub3A_873, %rem3A_224 : i32
            %mul3A_875 = arith.constant 1536 : i32
            %mul3A_876 = arith.muli %sub3A_874, %mul3A_875 : i32
            "tpu.region"() ({
              %run_scoped3A = tpu.sem_alloc : memref<!tpu.dma_semaphore, #tpu.memory_space<semaphore_mem>>
              %dma_start3A_883 = tpu.memref_slice %arg11[%mul3A_876] : memref<3072xi32, #tpu.memory_space<vmem>> -> memref<1536xi32, #tpu.memory_space<vmem>>
              %dma_start3A_884 = tpu.memref_slice %arg11[%mul3A_876] : memref<3072xi32, #tpu.memory_space<vmem>> -> memref<1536xi32, #tpu.memory_space<vmem>>
              tpu.enqueue_dma source(%arg7 : memref<1536xi32, #tpu.memory_space<vmem_shared>>) target(%dma_start3A_884 : memref<1536xi32, #tpu.memory_space<vmem>>) target_semaphore(%run_scoped3A : memref<!tpu.dma_semaphore, #tpu.memory_space<semaphore_mem>>)
              %dma_wait3A_885 = tpu.memref_slice %arg11[%mul3A_876] : memref<3072xi32, #tpu.memory_space<vmem>> -> memref<1536xi32, #tpu.memory_space<vmem>>
              %dma_wait3A_886 = tpu.memref_slice %arg11[%mul3A_876] : memref<3072xi32, #tpu.memory_space<vmem>> -> memref<1536xi32, #tpu.memory_space<vmem>>
              tpu.wait_dma2 semaphore(%run_scoped3A : memref<!tpu.dma_semaphore, #tpu.memory_space<semaphore_mem>>) src(%arg7 : memref<1536xi32, #tpu.memory_space<vmem_shared>>) dst(%dma_wait3A_886 : memref<1536xi32, #tpu.memory_space<vmem>>)
              tpu.yield
            }) : () -> ()
            %mul3A_877 = arith.constant 1536 : i32
            %mul3A_878 = arith.muli %rem3A_224, %mul3A_877 : i32
            %dma_start3A_879 = tpu.memref_slice %arg11[%mul3A_878] : memref<3072xi32, #tpu.memory_space<vmem>> -> memref<1536xi32, #tpu.memory_space<vmem>>
            %dma_start3A_880 = tpu.memref_slice %arg10[%mul3A_878] : memref<3072xi32, #tpu.memory_space<vmem>> -> memref<1536xi32, #tpu.memory_space<vmem>>
            %dma_start3A_881 = arith.constant 0 : i32
            %dma_start3A_882 = tpu.memref_slice %arg6[%dma_start3A_881] : memref<1600000xi32, #tpu.memory_space<vmem_shared>> -> memref<1600000xi32, #tpu.memory_space<vmem_shared>>
            tpu.enqueue_indirect_dma source(%dma_start3A_879 : memref<1536xi32, #tpu.memory_space<vmem>>) target(%dma_start3A_882 : memref<1600000xi32, #tpu.memory_space<vmem_shared>>) offsets(%dma_start3A_880 : memref<1536xi32, #tpu.memory_space<vmem>>) semaphore(%arg15 : memref<!tpu.dma_semaphore, #tpu.memory_space<semaphore_mem>>)
          } else {
          }
          %sub3A_233 = arith.constant 1 : i32
          %sub3A_234 = arith.subi %sub3A_233, %rem3A_224 : i32
          %mul3A_235 = arith.constant 1536 : i32
          %mul3A_236 = arith.muli %sub3A_234, %mul3A_235 : i32
          %add3A_237 = vector.broadcast %mul3A_236 : i32 to vector<16xi32>
          %add3A_238 = arith.addi %broadcast_in_dim3A_197, %add3A_237 : vector<16xi32>
          %add3A_239 = arith.constant 1 : i32
          %add3A_240 = arith.addi %scan3A_222, %add3A_239 : i32
          %select_n3A = arith.select %ge3A_229, %add3A_240, %scan3A_222 : i32
          %select_n3A_241 = arith.select %ge3A_229, %add3A_238, %scan3A_205 : vector<16xi32>
          %select_n3A_242 = arith.select %ge3A_229, %add3A_238, %scan3A_206 : vector<16xi32>
          %select_n3A_243 = arith.select %ge3A_229, %add3A_238, %scan3A_207 : vector<16xi32>
          %select_n3A_244 = arith.select %ge3A_229, %add3A_238, %scan3A_208 : vector<16xi32>
          %select_n3A_245 = arith.select %ge3A_229, %add3A_238, %scan3A_209 : vector<16xi32>
          %select_n3A_246 = arith.select %ge3A_229, %add3A_238, %scan3A_210 : vector<16xi32>
          %select_n3A_247 = arith.select %ge3A_229, %add3A_238, %scan3A_211 : vector<16xi32>
          %select_n3A_248 = arith.select %ge3A_229, %add3A_238, %scan3A_212 : vector<16xi32>
          %select_n3A_249 = arith.select %ge3A_229, %add3A_238, %scan3A_213 : vector<16xi32>
          %select_n3A_250 = arith.select %ge3A_229, %add3A_238, %scan3A_214 : vector<16xi32>
          %select_n3A_251 = arith.select %ge3A_229, %add3A_238, %scan3A_215 : vector<16xi32>
          %select_n3A_252 = arith.select %ge3A_229, %add3A_238, %scan3A_216 : vector<16xi32>
          %select_n3A_253 = arith.select %ge3A_229, %add3A_238, %scan3A_217 : vector<16xi32>
          %select_n3A_254 = arith.select %ge3A_229, %add3A_238, %scan3A_218 : vector<16xi32>
          %select_n3A_255 = arith.select %ge3A_229, %add3A_238, %scan3A_219 : vector<16xi32>
          %select_n3A_256 = arith.select %ge3A_229, %add3A_238, %scan3A_220 : vector<16xi32>
          %max3A = arith.maxsi %select_n3A_241, %select_n3A_242 : vector<16xi32>
          %max3A_257 = arith.maxsi %max3A, %select_n3A_243 : vector<16xi32>
          %max3A_258 = arith.maxsi %max3A_257, %select_n3A_244 : vector<16xi32>
          %max3A_259 = arith.maxsi %max3A_258, %select_n3A_245 : vector<16xi32>
          %max3A_260 = arith.maxsi %max3A_259, %select_n3A_246 : vector<16xi32>
          %max3A_261 = arith.maxsi %max3A_260, %select_n3A_247 : vector<16xi32>
          %max3A_262 = arith.maxsi %max3A_261, %select_n3A_248 : vector<16xi32>
          %max3A_263 = arith.maxsi %max3A_262, %select_n3A_249 : vector<16xi32>
          %max3A_264 = arith.maxsi %max3A_263, %select_n3A_250 : vector<16xi32>
          %max3A_265 = arith.maxsi %max3A_264, %select_n3A_251 : vector<16xi32>
          %max3A_266 = arith.maxsi %max3A_265, %select_n3A_252 : vector<16xi32>
          %max3A_267 = arith.maxsi %max3A_266, %select_n3A_253 : vector<16xi32>
          %max3A_268 = arith.maxsi %max3A_267, %select_n3A_254 : vector<16xi32>
          %max3A_269 = arith.maxsi %max3A_268, %select_n3A_255 : vector<16xi32>
          %max3A_270 = arith.maxsi %max3A_269, %select_n3A_256 : vector<16xi32>
          %reduce_max3A = arith.constant true
          %reduce_max3A_271 = vector.broadcast %reduce_max3A : i1 to vector<16xi1>
          %reduce_max3A_272 = arith.constant -2147483648 : i32
          %reduce_max3A_273 = vector.broadcast %reduce_max3A_272 : i32 to vector<16xi32>
          %reduce_max3A_274 = arith.xori %max3A_270, %reduce_max3A_273 : vector<16xi32>
          %reduce_max3A_275 = tpu.scan <max>, %reduce_max3A_274 masked %reduce_max3A_271 : vector<16xi32>, vector<16xi1> -> vector<16xi32>
          %reduce_max3A_276 = arith.xori %reduce_max3A_275, %reduce_max3A_273 : vector<16xi32>
          %reduce_max3A_277 = vector.extract %reduce_max3A_276[15] : i32 from vector<16xi32>
          %mul3A_278 = arith.constant 256 : i32
          %mul3A_279 = arith.muli %scan3A_204, %mul3A_278 : i32
          %add3A_280 = arith.addi %mul3A_193, %mul3A_279 : i32
          %add3A_281 = arith.constant 0 : i32
          %add3A_282 = arith.addi %add3A_280, %add3A_281 : i32
          %get3A = arith.index_cast %add3A_282 : i32 to index
          %get3A_283 = tpu.vector_load %arg8[%get3A] {strides = array<i32>} : memref<8192xi32, #tpu.memory_space<vmem>>, vector<16xi32>,
          %add3A_284 = arith.constant 16 : i32
          %add3A_285 = arith.addi %add3A_280, %add3A_284 : i32
          %get3A_286 = arith.index_cast %add3A_285 : i32 to index
          %get3A_287 = tpu.vector_load %arg8[%get3A_286] {strides = array<i32>} : memref<8192xi32, #tpu.memory_space<vmem>>, vector<16xi32>,
          %add3A_288 = arith.constant 32 : i32
          %add3A_289 = arith.addi %add3A_280, %add3A_288 : i32
          %get3A_290 = arith.index_cast %add3A_289 : i32 to index
          %get3A_291 = tpu.vector_load %arg8[%get3A_290] {strides = array<i32>} : memref<8192xi32, #tpu.memory_space<vmem>>, vector<16xi32>,
          %add3A_292 = arith.constant 48 : i32
          %add3A_293 = arith.addi %add3A_280, %add3A_292 : i32
          %get3A_294 = arith.index_cast %add3A_293 : i32 to index
          %get3A_295 = tpu.vector_load %arg8[%get3A_294] {strides = array<i32>} : memref<8192xi32, #tpu.memory_space<vmem>>, vector<16xi32>,
          %add3A_296 = arith.constant 64 : i32
          %add3A_297 = arith.addi %add3A_280, %add3A_296 : i32
          %get3A_298 = arith.index_cast %add3A_297 : i32 to index
          %get3A_299 = tpu.vector_load %arg8[%get3A_298] {strides = array<i32>} : memref<8192xi32, #tpu.memory_space<vmem>>, vector<16xi32>,
          %add3A_300 = arith.constant 80 : i32
          %add3A_301 = arith.addi %add3A_280, %add3A_300 : i32
          %get3A_302 = arith.index_cast %add3A_301 : i32 to index
          %get3A_303 = tpu.vector_load %arg8[%get3A_302] {strides = array<i32>} : memref<8192xi32, #tpu.memory_space<vmem>>, vector<16xi32>,
          %add3A_304 = arith.constant 96 : i32
          %add3A_305 = arith.addi %add3A_280, %add3A_304 : i32
          %get3A_306 = arith.index_cast %add3A_305 : i32 to index
          %get3A_307 = tpu.vector_load %arg8[%get3A_306] {strides = array<i32>} : memref<8192xi32, #tpu.memory_space<vmem>>, vector<16xi32>,
          %add3A_308 = arith.constant 112 : i32
          %add3A_309 = arith.addi %add3A_280, %add3A_308 : i32
          %get3A_310 = arith.index_cast %add3A_309 : i32 to index
          %get3A_311 = tpu.vector_load %arg8[%get3A_310] {strides = array<i32>} : memref<8192xi32, #tpu.memory_space<vmem>>, vector<16xi32>,
          %add3A_312 = arith.constant 128 : i32
          %add3A_313 = arith.addi %add3A_280, %add3A_312 : i32
          %get3A_314 = arith.index_cast %add3A_313 : i32 to index
          %get3A_315 = tpu.vector_load %arg8[%get3A_314] {strides = array<i32>} : memref<8192xi32, #tpu.memory_space<vmem>>, vector<16xi32>,
          %add3A_316 = arith.constant 144 : i32
          %add3A_317 = arith.addi %add3A_280, %add3A_316 : i32
          %get3A_318 = arith.index_cast %add3A_317 : i32 to index
          %get3A_319 = tpu.vector_load %arg8[%get3A_318] {strides = array<i32>} : memref<8192xi32, #tpu.memory_space<vmem>>, vector<16xi32>,
          %add3A_320 = arith.constant 160 : i32
          %add3A_321 = arith.addi %add3A_280, %add3A_320 : i32
          %get3A_322 = arith.index_cast %add3A_321 : i32 to index
          %get3A_323 = tpu.vector_load %arg8[%get3A_322] {strides = array<i32>} : memref<8192xi32, #tpu.memory_space<vmem>>, vector<16xi32>,
          %add3A_324 = arith.constant 176 : i32
          %add3A_325 = arith.addi %add3A_280, %add3A_324 : i32
          %get3A_326 = arith.index_cast %add3A_325 : i32 to index
          %get3A_327 = tpu.vector_load %arg8[%get3A_326] {strides = array<i32>} : memref<8192xi32, #tpu.memory_space<vmem>>, vector<16xi32>,
          %add3A_328 = arith.constant 192 : i32
          %add3A_329 = arith.addi %add3A_280, %add3A_328 : i32
          %get3A_330 = arith.index_cast %add3A_329 : i32 to index
          %get3A_331 = tpu.vector_load %arg8[%get3A_330] {strides = array<i32>} : memref<8192xi32, #tpu.memory_space<vmem>>, vector<16xi32>,
          %add3A_332 = arith.constant 208 : i32
          %add3A_333 = arith.addi %add3A_280, %add3A_332 : i32
          %get3A_334 = arith.index_cast %add3A_333 : i32 to index
          %get3A_335 = tpu.vector_load %arg8[%get3A_334] {strides = array<i32>} : memref<8192xi32, #tpu.memory_space<vmem>>, vector<16xi32>,
          %add3A_336 = arith.constant 224 : i32
          %add3A_337 = arith.addi %add3A_280, %add3A_336 : i32
          %get3A_338 = arith.index_cast %add3A_337 : i32 to index
          %get3A_339 = tpu.vector_load %arg8[%get3A_338] {strides = array<i32>} : memref<8192xi32, #tpu.memory_space<vmem>>, vector<16xi32>,
          %add3A_340 = arith.constant 240 : i32
          %add3A_341 = arith.addi %add3A_280, %add3A_340 : i32
          %get3A_342 = arith.index_cast %add3A_341 : i32 to index
          %get3A_343 = tpu.vector_load %arg8[%get3A_342] {strides = array<i32>} : memref<8192xi32, #tpu.memory_space<vmem>>, vector<16xi32>,
          %add3A_344 = arith.constant 0 : i32
          %add3A_345 = arith.addi %add3A_280, %add3A_344 : i32
          %get3A_346 = arith.index_cast %add3A_345 : i32 to index
          %get3A_347 = tpu.vector_load %arg9[%get3A_346] {strides = array<i32>} : memref<8192xi32, #tpu.memory_space<vmem>>, vector<16xi32>,
          %add3A_348 = arith.constant 16 : i32
          %add3A_349 = arith.addi %add3A_280, %add3A_348 : i32
          %get3A_350 = arith.index_cast %add3A_349 : i32 to index
          %get3A_351 = tpu.vector_load %arg9[%get3A_350] {strides = array<i32>} : memref<8192xi32, #tpu.memory_space<vmem>>, vector<16xi32>,
          %add3A_352 = arith.constant 32 : i32
          %add3A_353 = arith.addi %add3A_280, %add3A_352 : i32
          %get3A_354 = arith.index_cast %add3A_353 : i32 to index
          %get3A_355 = tpu.vector_load %arg9[%get3A_354] {strides = array<i32>} : memref<8192xi32, #tpu.memory_space<vmem>>, vector<16xi32>,
          %add3A_356 = arith.constant 48 : i32
          %add3A_357 = arith.addi %add3A_280, %add3A_356 : i32
          %get3A_358 = arith.index_cast %add3A_357 : i32 to index
          %get3A_359 = tpu.vector_load %arg9[%get3A_358] {strides = array<i32>} : memref<8192xi32, #tpu.memory_space<vmem>>, vector<16xi32>,
          %add3A_360 = arith.constant 64 : i32
          %add3A_361 = arith.addi %add3A_280, %add3A_360 : i32
          %get3A_362 = arith.index_cast %add3A_361 : i32 to index
          %get3A_363 = tpu.vector_load %arg9[%get3A_362] {strides = array<i32>} : memref<8192xi32, #tpu.memory_space<vmem>>, vector<16xi32>,
          %add3A_364 = arith.constant 80 : i32
          %add3A_365 = arith.addi %add3A_280, %add3A_364 : i32
          %get3A_366 = arith.index_cast %add3A_365 : i32 to index
          %get3A_367 = tpu.vector_load %arg9[%get3A_366] {strides = array<i32>} : memref<8192xi32, #tpu.memory_space<vmem>>, vector<16xi32>,
          %add3A_368 = arith.constant 96 : i32
          %add3A_369 = arith.addi %add3A_280, %add3A_368 : i32
          %get3A_370 = arith.index_cast %add3A_369 : i32 to index
          %get3A_371 = tpu.vector_load %arg9[%get3A_370] {strides = array<i32>} : memref<8192xi32, #tpu.memory_space<vmem>>, vector<16xi32>,
          %add3A_372 = arith.constant 112 : i32
          %add3A_373 = arith.addi %add3A_280, %add3A_372 : i32
          %get3A_374 = arith.index_cast %add3A_373 : i32 to index
          %get3A_375 = tpu.vector_load %arg9[%get3A_374] {strides = array<i32>} : memref<8192xi32, #tpu.memory_space<vmem>>, vector<16xi32>,
          %add3A_376 = arith.constant 128 : i32
          %add3A_377 = arith.addi %add3A_280, %add3A_376 : i32
          %get3A_378 = arith.index_cast %add3A_377 : i32 to index
          %get3A_379 = tpu.vector_load %arg9[%get3A_378] {strides = array<i32>} : memref<8192xi32, #tpu.memory_space<vmem>>, vector<16xi32>,
          %add3A_380 = arith.constant 144 : i32
          %add3A_381 = arith.addi %add3A_280, %add3A_380 : i32
          %get3A_382 = arith.index_cast %add3A_381 : i32 to index
          %get3A_383 = tpu.vector_load %arg9[%get3A_382] {strides = array<i32>} : memref<8192xi32, #tpu.memory_space<vmem>>, vector<16xi32>,
          %add3A_384 = arith.constant 160 : i32
          %add3A_385 = arith.addi %add3A_280, %add3A_384 : i32
          %get3A_386 = arith.index_cast %add3A_385 : i32 to index
          %get3A_387 = tpu.vector_load %arg9[%get3A_386] {strides = array<i32>} : memref<8192xi32, #tpu.memory_space<vmem>>, vector<16xi32>,
          %add3A_388 = arith.constant 176 : i32
          %add3A_389 = arith.addi %add3A_280, %add3A_388 : i32
          %get3A_390 = arith.index_cast %add3A_389 : i32 to index
          %get3A_391 = tpu.vector_load %arg9[%get3A_390] {strides = array<i32>} : memref<8192xi32, #tpu.memory_space<vmem>>, vector<16xi32>,
          %add3A_392 = arith.constant 192 : i32
          %add3A_393 = arith.addi %add3A_280, %add3A_392 : i32
          %get3A_394 = arith.index_cast %add3A_393 : i32 to index
          %get3A_395 = tpu.vector_load %arg9[%get3A_394] {strides = array<i32>} : memref<8192xi32, #tpu.memory_space<vmem>>, vector<16xi32>,
          %add3A_396 = arith.constant 208 : i32
          %add3A_397 = arith.addi %add3A_280, %add3A_396 : i32
          %get3A_398 = arith.index_cast %add3A_397 : i32 to index
          %get3A_399 = tpu.vector_load %arg9[%get3A_398] {strides = array<i32>} : memref<8192xi32, #tpu.memory_space<vmem>>, vector<16xi32>,
          %add3A_400 = arith.constant 224 : i32
          %add3A_401 = arith.addi %add3A_280, %add3A_400 : i32
          %get3A_402 = arith.index_cast %add3A_401 : i32 to index
          %get3A_403 = tpu.vector_load %arg9[%get3A_402] {strides = array<i32>} : memref<8192xi32, #tpu.memory_space<vmem>>, vector<16xi32>,
          %add3A_404 = arith.constant 240 : i32
          %add3A_405 = arith.addi %add3A_280, %add3A_404 : i32
          %get3A_406 = arith.index_cast %add3A_405 : i32 to index
          %get3A_407 = tpu.vector_load %arg9[%get3A_406] {strides = array<i32>} : memref<8192xi32, #tpu.memory_space<vmem>>, vector<16xi32>,
          %shift_left3A = arith.constant 6 : i32
          %shift_left3A_408 = vector.broadcast %shift_left3A : i32 to vector<16xi32>
          %shift_left3A_409 = arith.shli %get3A_283, %shift_left3A_408 : vector<16xi32>
          %add3A_410 = arith.addi %shift_left3A_409, %add3A_46 : vector<16xi32>
          %shift_left3A_411 = arith.constant 6 : i32
          %shift_left3A_412 = vector.broadcast %shift_left3A_411 : i32 to vector<16xi32>
          %shift_left3A_413 = arith.shli %get3A_287, %shift_left3A_412 : vector<16xi32>
          %add3A_414 = arith.addi %shift_left3A_413, %add3A_50 : vector<16xi32>
          %shift_left3A_415 = arith.constant 6 : i32
          %shift_left3A_416 = vector.broadcast %shift_left3A_415 : i32 to vector<16xi32>
          %shift_left3A_417 = arith.shli %get3A_291, %shift_left3A_416 : vector<16xi32>
          %add3A_418 = arith.addi %shift_left3A_417, %add3A_54 : vector<16xi32>
          %shift_left3A_419 = arith.constant 6 : i32
          %shift_left3A_420 = vector.broadcast %shift_left3A_419 : i32 to vector<16xi32>
          %shift_left3A_421 = arith.shli %get3A_295, %shift_left3A_420 : vector<16xi32>
          %add3A_422 = arith.addi %shift_left3A_421, %add3A_58 : vector<16xi32>
          %shift_left3A_423 = arith.constant 6 : i32
          %shift_left3A_424 = vector.broadcast %shift_left3A_423 : i32 to vector<16xi32>
          %shift_left3A_425 = arith.shli %get3A_299, %shift_left3A_424 : vector<16xi32>
          %add3A_426 = arith.addi %shift_left3A_425, %add3A_46 : vector<16xi32>
          %shift_left3A_427 = arith.constant 6 : i32
          %shift_left3A_428 = vector.broadcast %shift_left3A_427 : i32 to vector<16xi32>
          %shift_left3A_429 = arith.shli %get3A_303, %shift_left3A_428 : vector<16xi32>
          %add3A_430 = arith.addi %shift_left3A_429, %add3A_50 : vector<16xi32>
          %shift_left3A_431 = arith.constant 6 : i32
          %shift_left3A_432 = vector.broadcast %shift_left3A_431 : i32 to vector<16xi32>
          %shift_left3A_433 = arith.shli %get3A_307, %shift_left3A_432 : vector<16xi32>
          %add3A_434 = arith.addi %shift_left3A_433, %add3A_54 : vector<16xi32>
          %shift_left3A_435 = arith.constant 6 : i32
          %shift_left3A_436 = vector.broadcast %shift_left3A_435 : i32 to vector<16xi32>
          %shift_left3A_437 = arith.shli %get3A_311, %shift_left3A_436 : vector<16xi32>
          %add3A_438 = arith.addi %shift_left3A_437, %add3A_58 : vector<16xi32>
          %shift_left3A_439 = arith.constant 6 : i32
          %shift_left3A_440 = vector.broadcast %shift_left3A_439 : i32 to vector<16xi32>
          %shift_left3A_441 = arith.shli %get3A_315, %shift_left3A_440 : vector<16xi32>
          %add3A_442 = arith.addi %shift_left3A_441, %add3A_46 : vector<16xi32>
          %shift_left3A_443 = arith.constant 6 : i32
          %shift_left3A_444 = vector.broadcast %shift_left3A_443 : i32 to vector<16xi32>
          %shift_left3A_445 = arith.shli %get3A_319, %shift_left3A_444 : vector<16xi32>
          %add3A_446 = arith.addi %shift_left3A_445, %add3A_50 : vector<16xi32>
          %shift_left3A_447 = arith.constant 6 : i32
          %shift_left3A_448 = vector.broadcast %shift_left3A_447 : i32 to vector<16xi32>
          %shift_left3A_449 = arith.shli %get3A_323, %shift_left3A_448 : vector<16xi32>
          %add3A_450 = arith.addi %shift_left3A_449, %add3A_54 : vector<16xi32>
          %shift_left3A_451 = arith.constant 6 : i32
          %shift_left3A_452 = vector.broadcast %shift_left3A_451 : i32 to vector<16xi32>
          %shift_left3A_453 = arith.shli %get3A_327, %shift_left3A_452 : vector<16xi32>
          %add3A_454 = arith.addi %shift_left3A_453, %add3A_58 : vector<16xi32>
          %shift_left3A_455 = arith.constant 6 : i32
          %shift_left3A_456 = vector.broadcast %shift_left3A_455 : i32 to vector<16xi32>
          %shift_left3A_457 = arith.shli %get3A_331, %shift_left3A_456 : vector<16xi32>
          %add3A_458 = arith.addi %shift_left3A_457, %add3A_46 : vector<16xi32>
          %shift_left3A_459 = arith.constant 6 : i32
          %shift_left3A_460 = vector.broadcast %shift_left3A_459 : i32 to vector<16xi32>
          %shift_left3A_461 = arith.shli %get3A_335, %shift_left3A_460 : vector<16xi32>
          %add3A_462 = arith.addi %shift_left3A_461, %add3A_50 : vector<16xi32>
          %shift_left3A_463 = arith.constant 6 : i32
          %shift_left3A_464 = vector.broadcast %shift_left3A_463 : i32 to vector<16xi32>
          %shift_left3A_465 = arith.shli %get3A_339, %shift_left3A_464 : vector<16xi32>
          %add3A_466 = arith.addi %shift_left3A_465, %add3A_54 : vector<16xi32>
          %shift_left3A_467 = arith.constant 6 : i32
          %shift_left3A_468 = vector.broadcast %shift_left3A_467 : i32 to vector<16xi32>
          %shift_left3A_469 = arith.shli %get3A_343, %shift_left3A_468 : vector<16xi32>
          %add3A_470 = arith.addi %shift_left3A_469, %add3A_58 : vector<16xi32>
          %lt3A_471 = arith.constant 1600000 : i32
          %lt3A_472 = vector.broadcast %lt3A_471 : i32 to vector<16xi32>
          %lt3A_473 = arith.cmpi ult, %add3A_410, %lt3A_472 : vector<16xi32>
          %lt3A_474 = arith.constant 1600000 : i32
          %lt3A_475 = vector.broadcast %lt3A_474 : i32 to vector<16xi32>
          %lt3A_476 = arith.cmpi ult, %add3A_414, %lt3A_475 : vector<16xi32>
          %lt3A_477 = arith.constant 1600000 : i32
          %lt3A_478 = vector.broadcast %lt3A_477 : i32 to vector<16xi32>
          %lt3A_479 = arith.cmpi ult, %add3A_418, %lt3A_478 : vector<16xi32>
          %lt3A_480 = arith.constant 1600000 : i32
          %lt3A_481 = vector.broadcast %lt3A_480 : i32 to vector<16xi32>
          %lt3A_482 = arith.cmpi ult, %add3A_422, %lt3A_481 : vector<16xi32>
          %lt3A_483 = arith.constant 1600000 : i32
          %lt3A_484 = vector.broadcast %lt3A_483 : i32 to vector<16xi32>
          %lt3A_485 = arith.cmpi ult, %add3A_426, %lt3A_484 : vector<16xi32>
          %lt3A_486 = arith.constant 1600000 : i32
          %lt3A_487 = vector.broadcast %lt3A_486 : i32 to vector<16xi32>
          %lt3A_488 = arith.cmpi ult, %add3A_430, %lt3A_487 : vector<16xi32>
          %lt3A_489 = arith.constant 1600000 : i32
          %lt3A_490 = vector.broadcast %lt3A_489 : i32 to vector<16xi32>
          %lt3A_491 = arith.cmpi ult, %add3A_434, %lt3A_490 : vector<16xi32>
          %lt3A_492 = arith.constant 1600000 : i32
          %lt3A_493 = vector.broadcast %lt3A_492 : i32 to vector<16xi32>
          %lt3A_494 = arith.cmpi ult, %add3A_438, %lt3A_493 : vector<16xi32>
          %lt3A_495 = arith.constant 1600000 : i32
          %lt3A_496 = vector.broadcast %lt3A_495 : i32 to vector<16xi32>
          %lt3A_497 = arith.cmpi ult, %add3A_442, %lt3A_496 : vector<16xi32>
          %lt3A_498 = arith.constant 1600000 : i32
          %lt3A_499 = vector.broadcast %lt3A_498 : i32 to vector<16xi32>
          %lt3A_500 = arith.cmpi ult, %add3A_446, %lt3A_499 : vector<16xi32>
          %lt3A_501 = arith.constant 1600000 : i32
          %lt3A_502 = vector.broadcast %lt3A_501 : i32 to vector<16xi32>
          %lt3A_503 = arith.cmpi ult, %add3A_450, %lt3A_502 : vector<16xi32>
          %lt3A_504 = arith.constant 1600000 : i32
          %lt3A_505 = vector.broadcast %lt3A_504 : i32 to vector<16xi32>
          %lt3A_506 = arith.cmpi ult, %add3A_454, %lt3A_505 : vector<16xi32>
          %lt3A_507 = arith.constant 1600000 : i32
          %lt3A_508 = vector.broadcast %lt3A_507 : i32 to vector<16xi32>
          %lt3A_509 = arith.cmpi ult, %add3A_458, %lt3A_508 : vector<16xi32>
          %lt3A_510 = arith.constant 1600000 : i32
          %lt3A_511 = vector.broadcast %lt3A_510 : i32 to vector<16xi32>
          %lt3A_512 = arith.cmpi ult, %add3A_462, %lt3A_511 : vector<16xi32>
          %lt3A_513 = arith.constant 1600000 : i32
          %lt3A_514 = vector.broadcast %lt3A_513 : i32 to vector<16xi32>
          %lt3A_515 = arith.cmpi ult, %add3A_466, %lt3A_514 : vector<16xi32>
          %lt3A_516 = arith.constant 1600000 : i32
          %lt3A_517 = vector.broadcast %lt3A_516 : i32 to vector<16xi32>
          %lt3A_518 = arith.cmpi ult, %add3A_470, %lt3A_517 : vector<16xi32>
          %jit3A = arith.constant 1 : i32
          %jit3A_519 = arith.constant 0 : i32
          %broadcast_in_dim3A_520 = vector.broadcast %jit3A : i32 to vector<16xi32>
          %broadcast_in_dim3A_521 = vector.broadcast %jit3A_519 : i32 to vector<16xi32>
          %select_n3A_522 = arith.select %lt3A_473, %broadcast_in_dim3A_520, %broadcast_in_dim3A_521 : vector<16xi1>, vector<16xi32>
          %cumsum3A = arith.constant true
          %cumsum3A_523 = vector.broadcast %cumsum3A : i1 to vector<16xi1>
          %cumsum3A_524 = tpu.scan <sum>, %select_n3A_522 masked %cumsum3A_523 : vector<16xi32>, vector<16xi1> -> vector<16xi32>
          %jit3A_525 = arith.constant 1 : i32
          %jit3A_526 = arith.constant 0 : i32
          %broadcast_in_dim3A_527 = vector.broadcast %jit3A_525 : i32 to vector<16xi32>
          %broadcast_in_dim3A_528 = vector.broadcast %jit3A_526 : i32 to vector<16xi32>
          %select_n3A_529 = arith.select %lt3A_476, %broadcast_in_dim3A_527, %broadcast_in_dim3A_528 : vector<16xi1>, vector<16xi32>
          %cumsum3A_530 = arith.constant true
          %cumsum3A_531 = vector.broadcast %cumsum3A_530 : i1 to vector<16xi1>
          %cumsum3A_532 = tpu.scan <sum>, %select_n3A_529 masked %cumsum3A_531 : vector<16xi32>, vector<16xi1> -> vector<16xi32>
          %jit3A_533 = arith.constant 1 : i32
          %jit3A_534 = arith.constant 0 : i32
          %broadcast_in_dim3A_535 = vector.broadcast %jit3A_533 : i32 to vector<16xi32>
          %broadcast_in_dim3A_536 = vector.broadcast %jit3A_534 : i32 to vector<16xi32>
          %select_n3A_537 = arith.select %lt3A_479, %broadcast_in_dim3A_535, %broadcast_in_dim3A_536 : vector<16xi1>, vector<16xi32>
          %cumsum3A_538 = arith.constant true
          %cumsum3A_539 = vector.broadcast %cumsum3A_538 : i1 to vector<16xi1>
          %cumsum3A_540 = tpu.scan <sum>, %select_n3A_537 masked %cumsum3A_539 : vector<16xi32>, vector<16xi1> -> vector<16xi32>
          %jit3A_541 = arith.constant 1 : i32
          %jit3A_542 = arith.constant 0 : i32
          %broadcast_in_dim3A_543 = vector.broadcast %jit3A_541 : i32 to vector<16xi32>
          %broadcast_in_dim3A_544 = vector.broadcast %jit3A_542 : i32 to vector<16xi32>
          %select_n3A_545 = arith.select %lt3A_482, %broadcast_in_dim3A_543, %broadcast_in_dim3A_544 : vector<16xi1>, vector<16xi32>
          %cumsum3A_546 = arith.constant true
          %cumsum3A_547 = vector.broadcast %cumsum3A_546 : i1 to vector<16xi1>
          %cumsum3A_548 = tpu.scan <sum>, %select_n3A_545 masked %cumsum3A_547 : vector<16xi32>, vector<16xi1> -> vector<16xi32>
          %jit3A_549 = arith.constant 1 : i32
          %jit3A_550 = arith.constant 0 : i32
          %broadcast_in_dim3A_551 = vector.broadcast %jit3A_549 : i32 to vector<16xi32>
          %broadcast_in_dim3A_552 = vector.broadcast %jit3A_550 : i32 to vector<16xi32>
          %select_n3A_553 = arith.select %lt3A_485, %broadcast_in_dim3A_551, %broadcast_in_dim3A_552 : vector<16xi1>, vector<16xi32>
          %cumsum3A_554 = arith.constant true
          %cumsum3A_555 = vector.broadcast %cumsum3A_554 : i1 to vector<16xi1>
          %cumsum3A_556 = tpu.scan <sum>, %select_n3A_553 masked %cumsum3A_555 : vector<16xi32>, vector<16xi1> -> vector<16xi32>
          %jit3A_557 = arith.constant 1 : i32
          %jit3A_558 = arith.constant 0 : i32
          %broadcast_in_dim3A_559 = vector.broadcast %jit3A_557 : i32 to vector<16xi32>
          %broadcast_in_dim3A_560 = vector.broadcast %jit3A_558 : i32 to vector<16xi32>
          %select_n3A_561 = arith.select %lt3A_488, %broadcast_in_dim3A_559, %broadcast_in_dim3A_560 : vector<16xi1>, vector<16xi32>
          %cumsum3A_562 = arith.constant true
          %cumsum3A_563 = vector.broadcast %cumsum3A_562 : i1 to vector<16xi1>
          %cumsum3A_564 = tpu.scan <sum>, %select_n3A_561 masked %cumsum3A_563 : vector<16xi32>, vector<16xi1> -> vector<16xi32>
          %jit3A_565 = arith.constant 1 : i32
          %jit3A_566 = arith.constant 0 : i32
          %broadcast_in_dim3A_567 = vector.broadcast %jit3A_565 : i32 to vector<16xi32>
          %broadcast_in_dim3A_568 = vector.broadcast %jit3A_566 : i32 to vector<16xi32>
          %select_n3A_569 = arith.select %lt3A_491, %broadcast_in_dim3A_567, %broadcast_in_dim3A_568 : vector<16xi1>, vector<16xi32>
          %cumsum3A_570 = arith.constant true
          %cumsum3A_571 = vector.broadcast %cumsum3A_570 : i1 to vector<16xi1>
          %cumsum3A_572 = tpu.scan <sum>, %select_n3A_569 masked %cumsum3A_571 : vector<16xi32>, vector<16xi1> -> vector<16xi32>
          %jit3A_573 = arith.constant 1 : i32
          %jit3A_574 = arith.constant 0 : i32
          %broadcast_in_dim3A_575 = vector.broadcast %jit3A_573 : i32 to vector<16xi32>
          %broadcast_in_dim3A_576 = vector.broadcast %jit3A_574 : i32 to vector<16xi32>
          %select_n3A_577 = arith.select %lt3A_494, %broadcast_in_dim3A_575, %broadcast_in_dim3A_576 : vector<16xi1>, vector<16xi32>
          %cumsum3A_578 = arith.constant true
          %cumsum3A_579 = vector.broadcast %cumsum3A_578 : i1 to vector<16xi1>
          %cumsum3A_580 = tpu.scan <sum>, %select_n3A_577 masked %cumsum3A_579 : vector<16xi32>, vector<16xi1> -> vector<16xi32>
          %jit3A_581 = arith.constant 1 : i32
          %jit3A_582 = arith.constant 0 : i32
          %broadcast_in_dim3A_583 = vector.broadcast %jit3A_581 : i32 to vector<16xi32>
          %broadcast_in_dim3A_584 = vector.broadcast %jit3A_582 : i32 to vector<16xi32>
          %select_n3A_585 = arith.select %lt3A_497, %broadcast_in_dim3A_583, %broadcast_in_dim3A_584 : vector<16xi1>, vector<16xi32>
          %cumsum3A_586 = arith.constant true
          %cumsum3A_587 = vector.broadcast %cumsum3A_586 : i1 to vector<16xi1>
          %cumsum3A_588 = tpu.scan <sum>, %select_n3A_585 masked %cumsum3A_587 : vector<16xi32>, vector<16xi1> -> vector<16xi32>
          %jit3A_589 = arith.constant 1 : i32
          %jit3A_590 = arith.constant 0 : i32
          %broadcast_in_dim3A_591 = vector.broadcast %jit3A_589 : i32 to vector<16xi32>
          %broadcast_in_dim3A_592 = vector.broadcast %jit3A_590 : i32 to vector<16xi32>
          %select_n3A_593 = arith.select %lt3A_500, %broadcast_in_dim3A_591, %broadcast_in_dim3A_592 : vector<16xi1>, vector<16xi32>
          %cumsum3A_594 = arith.constant true
          %cumsum3A_595 = vector.broadcast %cumsum3A_594 : i1 to vector<16xi1>
          %cumsum3A_596 = tpu.scan <sum>, %select_n3A_593 masked %cumsum3A_595 : vector<16xi32>, vector<16xi1> -> vector<16xi32>
          %jit3A_597 = arith.constant 1 : i32
          %jit3A_598 = arith.constant 0 : i32
          %broadcast_in_dim3A_599 = vector.broadcast %jit3A_597 : i32 to vector<16xi32>
          %broadcast_in_dim3A_600 = vector.broadcast %jit3A_598 : i32 to vector<16xi32>
          %select_n3A_601 = arith.select %lt3A_503, %broadcast_in_dim3A_599, %broadcast_in_dim3A_600 : vector<16xi1>, vector<16xi32>
          %cumsum3A_602 = arith.constant true
          %cumsum3A_603 = vector.broadcast %cumsum3A_602 : i1 to vector<16xi1>
          %cumsum3A_604 = tpu.scan <sum>, %select_n3A_601 masked %cumsum3A_603 : vector<16xi32>, vector<16xi1> -> vector<16xi32>
          %jit3A_605 = arith.constant 1 : i32
          %jit3A_606 = arith.constant 0 : i32
          %broadcast_in_dim3A_607 = vector.broadcast %jit3A_605 : i32 to vector<16xi32>
          %broadcast_in_dim3A_608 = vector.broadcast %jit3A_606 : i32 to vector<16xi32>
          %select_n3A_609 = arith.select %lt3A_506, %broadcast_in_dim3A_607, %broadcast_in_dim3A_608 : vector<16xi1>, vector<16xi32>
          %cumsum3A_610 = arith.constant true
          %cumsum3A_611 = vector.broadcast %cumsum3A_610 : i1 to vector<16xi1>
          %cumsum3A_612 = tpu.scan <sum>, %select_n3A_609 masked %cumsum3A_611 : vector<16xi32>, vector<16xi1> -> vector<16xi32>
          %jit3A_613 = arith.constant 1 : i32
          %jit3A_614 = arith.constant 0 : i32
          %broadcast_in_dim3A_615 = vector.broadcast %jit3A_613 : i32 to vector<16xi32>
          %broadcast_in_dim3A_616 = vector.broadcast %jit3A_614 : i32 to vector<16xi32>
          %select_n3A_617 = arith.select %lt3A_509, %broadcast_in_dim3A_615, %broadcast_in_dim3A_616 : vector<16xi1>, vector<16xi32>
          %cumsum3A_618 = arith.constant true
          %cumsum3A_619 = vector.broadcast %cumsum3A_618 : i1 to vector<16xi1>
          %cumsum3A_620 = tpu.scan <sum>, %select_n3A_617 masked %cumsum3A_619 : vector<16xi32>, vector<16xi1> -> vector<16xi32>
          %jit3A_621 = arith.constant 1 : i32
          %jit3A_622 = arith.constant 0 : i32
          %broadcast_in_dim3A_623 = vector.broadcast %jit3A_621 : i32 to vector<16xi32>
          %broadcast_in_dim3A_624 = vector.broadcast %jit3A_622 : i32 to vector<16xi32>
          %select_n3A_625 = arith.select %lt3A_512, %broadcast_in_dim3A_623, %broadcast_in_dim3A_624 : vector<16xi1>, vector<16xi32>
          %cumsum3A_626 = arith.constant true
          %cumsum3A_627 = vector.broadcast %cumsum3A_626 : i1 to vector<16xi1>
          %cumsum3A_628 = tpu.scan <sum>, %select_n3A_625 masked %cumsum3A_627 : vector<16xi32>, vector<16xi1> -> vector<16xi32>
          %jit3A_629 = arith.constant 1 : i32
          %jit3A_630 = arith.constant 0 : i32
          %broadcast_in_dim3A_631 = vector.broadcast %jit3A_629 : i32 to vector<16xi32>
          %broadcast_in_dim3A_632 = vector.broadcast %jit3A_630 : i32 to vector<16xi32>
          %select_n3A_633 = arith.select %lt3A_515, %broadcast_in_dim3A_631, %broadcast_in_dim3A_632 : vector<16xi1>, vector<16xi32>
          %cumsum3A_634 = arith.constant true
          %cumsum3A_635 = vector.broadcast %cumsum3A_634 : i1 to vector<16xi1>
          %cumsum3A_636 = tpu.scan <sum>, %select_n3A_633 masked %cumsum3A_635 : vector<16xi32>, vector<16xi1> -> vector<16xi32>
          %jit3A_637 = arith.constant 1 : i32
          %jit3A_638 = arith.constant 0 : i32
          %broadcast_in_dim3A_639 = vector.broadcast %jit3A_637 : i32 to vector<16xi32>
          %broadcast_in_dim3A_640 = vector.broadcast %jit3A_638 : i32 to vector<16xi32>
          %select_n3A_641 = arith.select %lt3A_518, %broadcast_in_dim3A_639, %broadcast_in_dim3A_640 : vector<16xi1>, vector<16xi32>
          %cumsum3A_642 = arith.constant true
          %cumsum3A_643 = vector.broadcast %cumsum3A_642 : i1 to vector<16xi1>
          %cumsum3A_644 = tpu.scan <sum>, %select_n3A_641 masked %cumsum3A_643 : vector<16xi32>, vector<16xi1> -> vector<16xi32>
          %add3A_645 = arith.addi %cumsum3A_524, %select_n3A_241 : vector<16xi32>
          %add3A_646 = arith.addi %cumsum3A_532, %select_n3A_242 : vector<16xi32>
          %add3A_647 = arith.addi %cumsum3A_540, %select_n3A_243 : vector<16xi32>
          %add3A_648 = arith.addi %cumsum3A_548, %select_n3A_244 : vector<16xi32>
          %add3A_649 = arith.addi %cumsum3A_556, %select_n3A_245 : vector<16xi32>
          %add3A_650 = arith.addi %cumsum3A_564, %select_n3A_246 : vector<16xi32>
          %add3A_651 = arith.addi %cumsum3A_572, %select_n3A_247 : vector<16xi32>
          %add3A_652 = arith.addi %cumsum3A_580, %select_n3A_248 : vector<16xi32>
          %add3A_653 = arith.addi %cumsum3A_588, %select_n3A_249 : vector<16xi32>
          %add3A_654 = arith.addi %cumsum3A_596, %select_n3A_250 : vector<16xi32>
          %add3A_655 = arith.addi %cumsum3A_604, %select_n3A_251 : vector<16xi32>
          %add3A_656 = arith.addi %cumsum3A_612, %select_n3A_252 : vector<16xi32>
          %add3A_657 = arith.addi %cumsum3A_620, %select_n3A_253 : vector<16xi32>
          %add3A_658 = arith.addi %cumsum3A_628, %select_n3A_254 : vector<16xi32>
          %add3A_659 = arith.addi %cumsum3A_636, %select_n3A_255 : vector<16xi32>
          %add3A_660 = arith.addi %cumsum3A_644, %select_n3A_256 : vector<16xi32>
          %lt3A_661 = arith.constant 0 : i32
          %lt3A_662 = vector.broadcast %lt3A_661 : i32 to vector<16xi32>
          %lt3A_663 = arith.cmpi slt, %broadcast_in_dim3A_195, %lt3A_662 : vector<16xi32>
          %add3A_664 = arith.constant 16 : i32
          %add3A_665 = vector.broadcast %add3A_664 : i32 to vector<16xi32>
          %add3A_666 = arith.addi %broadcast_in_dim3A_195, %add3A_665 : vector<16xi32>
          %select_n3A_667 = arith.select %lt3A_663, %add3A_666, %broadcast_in_dim3A_195 : vector<16xi1>, vector<16xi32>
          %broadcast_in_dim3A_668 = vector.shape_cast %select_n3A_667 : vector<16xi32> to vector<16x1xi32>
          %gather3A = vector.shape_cast %broadcast_in_dim3A_668 : vector<16x1xi32> to vector<16xi32>
          %gather3A_669 = tpu.dynamic_gather %add3A_645[%gather3A] in [0] : vector<16xi32>, vector<16xi32> -> vector<16xi32>
          %lt3A_670 = arith.constant 0 : i32
          %lt3A_671 = vector.broadcast %lt3A_670 : i32 to vector<16xi32>
          %lt3A_672 = arith.cmpi slt, %broadcast_in_dim3A_195, %lt3A_671 : vector<16xi32>
          %add3A_673 = arith.constant 16 : i32
          %add3A_674 = vector.broadcast %add3A_673 : i32 to vector<16xi32>
          %add3A_675 = arith.addi %broadcast_in_dim3A_195, %add3A_674 : vector<16xi32>
          %select_n3A_676 = arith.select %lt3A_672, %add3A_675, %broadcast_in_dim3A_195 : vector<16xi1>, vector<16xi32>
          %broadcast_in_dim3A_677 = vector.shape_cast %select_n3A_676 : vector<16xi32> to vector<16x1xi32>
          %gather3A_678 = vector.shape_cast %broadcast_in_dim3A_677 : vector<16x1xi32> to vector<16xi32>
          %gather3A_679 = tpu.dynamic_gather %add3A_646[%gather3A_678] in [0] : vector<16xi32>, vector<16xi32> -> vector<16xi32>
          %lt3A_680 = arith.constant 0 : i32
          %lt3A_681 = vector.broadcast %lt3A_680 : i32 to vector<16xi32>
          %lt3A_682 = arith.cmpi slt, %broadcast_in_dim3A_195, %lt3A_681 : vector<16xi32>
          %add3A_683 = arith.constant 16 : i32
          %add3A_684 = vector.broadcast %add3A_683 : i32 to vector<16xi32>
          %add3A_685 = arith.addi %broadcast_in_dim3A_195, %add3A_684 : vector<16xi32>
          %select_n3A_686 = arith.select %lt3A_682, %add3A_685, %broadcast_in_dim3A_195 : vector<16xi1>, vector<16xi32>
          %broadcast_in_dim3A_687 = vector.shape_cast %select_n3A_686 : vector<16xi32> to vector<16x1xi32>
          %gather3A_688 = vector.shape_cast %broadcast_in_dim3A_687 : vector<16x1xi32> to vector<16xi32>
          %gather3A_689 = tpu.dynamic_gather %add3A_647[%gather3A_688] in [0] : vector<16xi32>, vector<16xi32> -> vector<16xi32>
          %lt3A_690 = arith.constant 0 : i32
          %lt3A_691 = vector.broadcast %lt3A_690 : i32 to vector<16xi32>
          %lt3A_692 = arith.cmpi slt, %broadcast_in_dim3A_195, %lt3A_691 : vector<16xi32>
          %add3A_693 = arith.constant 16 : i32
          %add3A_694 = vector.broadcast %add3A_693 : i32 to vector<16xi32>
          %add3A_695 = arith.addi %broadcast_in_dim3A_195, %add3A_694 : vector<16xi32>
          %select_n3A_696 = arith.select %lt3A_692, %add3A_695, %broadcast_in_dim3A_195 : vector<16xi1>, vector<16xi32>
          %broadcast_in_dim3A_697 = vector.shape_cast %select_n3A_696 : vector<16xi32> to vector<16x1xi32>
          %gather3A_698 = vector.shape_cast %broadcast_in_dim3A_697 : vector<16x1xi32> to vector<16xi32>
          %gather3A_699 = tpu.dynamic_gather %add3A_648[%gather3A_698] in [0] : vector<16xi32>, vector<16xi32> -> vector<16xi32>
          %lt3A_700 = arith.constant 0 : i32
          %lt3A_701 = vector.broadcast %lt3A_700 : i32 to vector<16xi32>
          %lt3A_702 = arith.cmpi slt, %broadcast_in_dim3A_195, %lt3A_701 : vector<16xi32>
          %add3A_703 = arith.constant 16 : i32
          %add3A_704 = vector.broadcast %add3A_703 : i32 to vector<16xi32>
          %add3A_705 = arith.addi %broadcast_in_dim3A_195, %add3A_704 : vector<16xi32>
          %select_n3A_706 = arith.select %lt3A_702, %add3A_705, %broadcast_in_dim3A_195 : vector<16xi1>, vector<16xi32>
          %broadcast_in_dim3A_707 = vector.shape_cast %select_n3A_706 : vector<16xi32> to vector<16x1xi32>
          %gather3A_708 = vector.shape_cast %broadcast_in_dim3A_707 : vector<16x1xi32> to vector<16xi32>
          %gather3A_709 = tpu.dynamic_gather %add3A_649[%gather3A_708] in [0] : vector<16xi32>, vector<16xi32> -> vector<16xi32>
          %lt3A_710 = arith.constant 0 : i32
          %lt3A_711 = vector.broadcast %lt3A_710 : i32 to vector<16xi32>
          %lt3A_712 = arith.cmpi slt, %broadcast_in_dim3A_195, %lt3A_711 : vector<16xi32>
          %add3A_713 = arith.constant 16 : i32
          %add3A_714 = vector.broadcast %add3A_713 : i32 to vector<16xi32>
          %add3A_715 = arith.addi %broadcast_in_dim3A_195, %add3A_714 : vector<16xi32>
          %select_n3A_716 = arith.select %lt3A_712, %add3A_715, %broadcast_in_dim3A_195 : vector<16xi1>, vector<16xi32>
          %broadcast_in_dim3A_717 = vector.shape_cast %select_n3A_716 : vector<16xi32> to vector<16x1xi32>
          %gather3A_718 = vector.shape_cast %broadcast_in_dim3A_717 : vector<16x1xi32> to vector<16xi32>
          %gather3A_719 = tpu.dynamic_gather %add3A_650[%gather3A_718] in [0] : vector<16xi32>, vector<16xi32> -> vector<16xi32>
          %lt3A_720 = arith.constant 0 : i32
          %lt3A_721 = vector.broadcast %lt3A_720 : i32 to vector<16xi32>
          %lt3A_722 = arith.cmpi slt, %broadcast_in_dim3A_195, %lt3A_721 : vector<16xi32>
          %add3A_723 = arith.constant 16 : i32
          %add3A_724 = vector.broadcast %add3A_723 : i32 to vector<16xi32>
          %add3A_725 = arith.addi %broadcast_in_dim3A_195, %add3A_724 : vector<16xi32>
          %select_n3A_726 = arith.select %lt3A_722, %add3A_725, %broadcast_in_dim3A_195 : vector<16xi1>, vector<16xi32>
          %broadcast_in_dim3A_727 = vector.shape_cast %select_n3A_726 : vector<16xi32> to vector<16x1xi32>
          %gather3A_728 = vector.shape_cast %broadcast_in_dim3A_727 : vector<16x1xi32> to vector<16xi32>
          %gather3A_729 = tpu.dynamic_gather %add3A_651[%gather3A_728] in [0] : vector<16xi32>, vector<16xi32> -> vector<16xi32>
          %lt3A_730 = arith.constant 0 : i32
          %lt3A_731 = vector.broadcast %lt3A_730 : i32 to vector<16xi32>
          %lt3A_732 = arith.cmpi slt, %broadcast_in_dim3A_195, %lt3A_731 : vector<16xi32>
          %add3A_733 = arith.constant 16 : i32
          %add3A_734 = vector.broadcast %add3A_733 : i32 to vector<16xi32>
          %add3A_735 = arith.addi %broadcast_in_dim3A_195, %add3A_734 : vector<16xi32>
          %select_n3A_736 = arith.select %lt3A_732, %add3A_735, %broadcast_in_dim3A_195 : vector<16xi1>, vector<16xi32>
          %broadcast_in_dim3A_737 = vector.shape_cast %select_n3A_736 : vector<16xi32> to vector<16x1xi32>
          %gather3A_738 = vector.shape_cast %broadcast_in_dim3A_737 : vector<16x1xi32> to vector<16xi32>
          %gather3A_739 = tpu.dynamic_gather %add3A_652[%gather3A_738] in [0] : vector<16xi32>, vector<16xi32> -> vector<16xi32>
          %lt3A_740 = arith.constant 0 : i32
          %lt3A_741 = vector.broadcast %lt3A_740 : i32 to vector<16xi32>
          %lt3A_742 = arith.cmpi slt, %broadcast_in_dim3A_195, %lt3A_741 : vector<16xi32>
          %add3A_743 = arith.constant 16 : i32
          %add3A_744 = vector.broadcast %add3A_743 : i32 to vector<16xi32>
          %add3A_745 = arith.addi %broadcast_in_dim3A_195, %add3A_744 : vector<16xi32>
          %select_n3A_746 = arith.select %lt3A_742, %add3A_745, %broadcast_in_dim3A_195 : vector<16xi1>, vector<16xi32>
          %broadcast_in_dim3A_747 = vector.shape_cast %select_n3A_746 : vector<16xi32> to vector<16x1xi32>
          %gather3A_748 = vector.shape_cast %broadcast_in_dim3A_747 : vector<16x1xi32> to vector<16xi32>
          %gather3A_749 = tpu.dynamic_gather %add3A_653[%gather3A_748] in [0] : vector<16xi32>, vector<16xi32> -> vector<16xi32>
          %lt3A_750 = arith.constant 0 : i32
          %lt3A_751 = vector.broadcast %lt3A_750 : i32 to vector<16xi32>
          %lt3A_752 = arith.cmpi slt, %broadcast_in_dim3A_195, %lt3A_751 : vector<16xi32>
          %add3A_753 = arith.constant 16 : i32
          %add3A_754 = vector.broadcast %add3A_753 : i32 to vector<16xi32>
          %add3A_755 = arith.addi %broadcast_in_dim3A_195, %add3A_754 : vector<16xi32>
          %select_n3A_756 = arith.select %lt3A_752, %add3A_755, %broadcast_in_dim3A_195 : vector<16xi1>, vector<16xi32>
          %broadcast_in_dim3A_757 = vector.shape_cast %select_n3A_756 : vector<16xi32> to vector<16x1xi32>
          %gather3A_758 = vector.shape_cast %broadcast_in_dim3A_757 : vector<16x1xi32> to vector<16xi32>
          %gather3A_759 = tpu.dynamic_gather %add3A_654[%gather3A_758] in [0] : vector<16xi32>, vector<16xi32> -> vector<16xi32>
          %lt3A_760 = arith.constant 0 : i32
          %lt3A_761 = vector.broadcast %lt3A_760 : i32 to vector<16xi32>
          %lt3A_762 = arith.cmpi slt, %broadcast_in_dim3A_195, %lt3A_761 : vector<16xi32>
          %add3A_763 = arith.constant 16 : i32
          %add3A_764 = vector.broadcast %add3A_763 : i32 to vector<16xi32>
          %add3A_765 = arith.addi %broadcast_in_dim3A_195, %add3A_764 : vector<16xi32>
          %select_n3A_766 = arith.select %lt3A_762, %add3A_765, %broadcast_in_dim3A_195 : vector<16xi1>, vector<16xi32>
          %broadcast_in_dim3A_767 = vector.shape_cast %select_n3A_766 : vector<16xi32> to vector<16x1xi32>
          %gather3A_768 = vector.shape_cast %broadcast_in_dim3A_767 : vector<16x1xi32> to vector<16xi32>
          %gather3A_769 = tpu.dynamic_gather %add3A_655[%gather3A_768] in [0] : vector<16xi32>, vector<16xi32> -> vector<16xi32>
          %lt3A_770 = arith.constant 0 : i32
          %lt3A_771 = vector.broadcast %lt3A_770 : i32 to vector<16xi32>
          %lt3A_772 = arith.cmpi slt, %broadcast_in_dim3A_195, %lt3A_771 : vector<16xi32>
          %add3A_773 = arith.constant 16 : i32
          %add3A_774 = vector.broadcast %add3A_773 : i32 to vector<16xi32>
          %add3A_775 = arith.addi %broadcast_in_dim3A_195, %add3A_774 : vector<16xi32>
          %select_n3A_776 = arith.select %lt3A_772, %add3A_775, %broadcast_in_dim3A_195 : vector<16xi1>, vector<16xi32>
          %broadcast_in_dim3A_777 = vector.shape_cast %select_n3A_776 : vector<16xi32> to vector<16x1xi32>
          %gather3A_778 = vector.shape_cast %broadcast_in_dim3A_777 : vector<16x1xi32> to vector<16xi32>
          %gather3A_779 = tpu.dynamic_gather %add3A_656[%gather3A_778] in [0] : vector<16xi32>, vector<16xi32> -> vector<16xi32>
          %lt3A_780 = arith.constant 0 : i32
          %lt3A_781 = vector.broadcast %lt3A_780 : i32 to vector<16xi32>
          %lt3A_782 = arith.cmpi slt, %broadcast_in_dim3A_195, %lt3A_781 : vector<16xi32>
          %add3A_783 = arith.constant 16 : i32
          %add3A_784 = vector.broadcast %add3A_783 : i32 to vector<16xi32>
          %add3A_785 = arith.addi %broadcast_in_dim3A_195, %add3A_784 : vector<16xi32>
          %select_n3A_786 = arith.select %lt3A_782, %add3A_785, %broadcast_in_dim3A_195 : vector<16xi1>, vector<16xi32>
          %broadcast_in_dim3A_787 = vector.shape_cast %select_n3A_786 : vector<16xi32> to vector<16x1xi32>
          %gather3A_788 = vector.shape_cast %broadcast_in_dim3A_787 : vector<16x1xi32> to vector<16xi32>
          %gather3A_789 = tpu.dynamic_gather %add3A_657[%gather3A_788] in [0] : vector<16xi32>, vector<16xi32> -> vector<16xi32>
          %lt3A_790 = arith.constant 0 : i32
          %lt3A_791 = vector.broadcast %lt3A_790 : i32 to vector<16xi32>
          %lt3A_792 = arith.cmpi slt, %broadcast_in_dim3A_195, %lt3A_791 : vector<16xi32>
          %add3A_793 = arith.constant 16 : i32
          %add3A_794 = vector.broadcast %add3A_793 : i32 to vector<16xi32>
          %add3A_795 = arith.addi %broadcast_in_dim3A_195, %add3A_794 : vector<16xi32>
          %select_n3A_796 = arith.select %lt3A_792, %add3A_795, %broadcast_in_dim3A_195 : vector<16xi1>, vector<16xi32>
          %broadcast_in_dim3A_797 = vector.shape_cast %select_n3A_796 : vector<16xi32> to vector<16x1xi32>
          %gather3A_798 = vector.shape_cast %broadcast_in_dim3A_797 : vector<16x1xi32> to vector<16xi32>
          %gather3A_799 = tpu.dynamic_gather %add3A_658[%gather3A_798] in [0] : vector<16xi32>, vector<16xi32> -> vector<16xi32>
          %lt3A_800 = arith.constant 0 : i32
          %lt3A_801 = vector.broadcast %lt3A_800 : i32 to vector<16xi32>
          %lt3A_802 = arith.cmpi slt, %broadcast_in_dim3A_195, %lt3A_801 : vector<16xi32>
          %add3A_803 = arith.constant 16 : i32
          %add3A_804 = vector.broadcast %add3A_803 : i32 to vector<16xi32>
          %add3A_805 = arith.addi %broadcast_in_dim3A_195, %add3A_804 : vector<16xi32>
          %select_n3A_806 = arith.select %lt3A_802, %add3A_805, %broadcast_in_dim3A_195 : vector<16xi1>, vector<16xi32>
          %broadcast_in_dim3A_807 = vector.shape_cast %select_n3A_806 : vector<16xi32> to vector<16x1xi32>
          %gather3A_808 = vector.shape_cast %broadcast_in_dim3A_807 : vector<16x1xi32> to vector<16xi32>
          %gather3A_809 = tpu.dynamic_gather %add3A_659[%gather3A_808] in [0] : vector<16xi32>, vector<16xi32> -> vector<16xi32>
          %lt3A_810 = arith.constant 0 : i32
          %lt3A_811 = vector.broadcast %lt3A_810 : i32 to vector<16xi32>
          %lt3A_812 = arith.cmpi slt, %broadcast_in_dim3A_195, %lt3A_811 : vector<16xi32>
          %add3A_813 = arith.constant 16 : i32
          %add3A_814 = vector.broadcast %add3A_813 : i32 to vector<16xi32>
          %add3A_815 = arith.addi %broadcast_in_dim3A_195, %add3A_814 : vector<16xi32>
          %select_n3A_816 = arith.select %lt3A_812, %add3A_815, %broadcast_in_dim3A_195 : vector<16xi1>, vector<16xi32>
          %broadcast_in_dim3A_817 = vector.shape_cast %select_n3A_816 : vector<16xi32> to vector<16x1xi32>
          %gather3A_818 = vector.shape_cast %broadcast_in_dim3A_817 : vector<16x1xi32> to vector<16xi32>
          %gather3A_819 = tpu.dynamic_gather %add3A_660[%gather3A_818] in [0] : vector<16xi32>, vector<16xi32> -> vector<16xi32>
          %add3A_820 = arith.constant 0 : i32
          %add3A_821 = vector.broadcast %add3A_820 : i32 to vector<16xi32>
          %add3A_822 = arith.addi %add3A_645, %add3A_821 : vector<16xi32>
          tpu.vector_store_idx %arg10[%add3A_822], %add3A_410 masked %lt3A_473 : memref<3072xi32, #tpu.memory_space<vmem>>[vector<16xi32>], vector<16xi32>, vector<16xi1>
          tpu.vector_store_idx %arg11[%add3A_822], %get3A_347 masked %lt3A_473 : memref<3072xi32, #tpu.memory_space<vmem>>[vector<16xi32>], vector<16xi32>, vector<16xi1>
          %add3A_823 = arith.constant 96 : i32
          %add3A_824 = vector.broadcast %add3A_823 : i32 to vector<16xi32>
          %add3A_825 = arith.addi %add3A_646, %add3A_824 : vector<16xi32>
          tpu.vector_store_idx %arg10[%add3A_825], %add3A_414 masked %lt3A_476 : memref<3072xi32, #tpu.memory_space<vmem>>[vector<16xi32>], vector<16xi32>, vector<16xi1>
          tpu.vector_store_idx %arg11[%add3A_825], %get3A_351 masked %lt3A_476 : memref<3072xi32, #tpu.memory_space<vmem>>[vector<16xi32>], vector<16xi32>, vector<16xi1>
          %add3A_826 = arith.constant 192 : i32
          %add3A_827 = vector.broadcast %add3A_826 : i32 to vector<16xi32>
          %add3A_828 = arith.addi %add3A_647, %add3A_827 : vector<16xi32>
          tpu.vector_store_idx %arg10[%add3A_828], %add3A_418 masked %lt3A_479 : memref<3072xi32, #tpu.memory_space<vmem>>[vector<16xi32>], vector<16xi32>, vector<16xi1>
          tpu.vector_store_idx %arg11[%add3A_828], %get3A_355 masked %lt3A_479 : memref<3072xi32, #tpu.memory_space<vmem>>[vector<16xi32>], vector<16xi32>, vector<16xi1>
          %add3A_829 = arith.constant 288 : i32
          %add3A_830 = vector.broadcast %add3A_829 : i32 to vector<16xi32>
          %add3A_831 = arith.addi %add3A_648, %add3A_830 : vector<16xi32>
          tpu.vector_store_idx %arg10[%add3A_831], %add3A_422 masked %lt3A_482 : memref<3072xi32, #tpu.memory_space<vmem>>[vector<16xi32>], vector<16xi32>, vector<16xi1>
          tpu.vector_store_idx %arg11[%add3A_831], %get3A_359 masked %lt3A_482 : memref<3072xi32, #tpu.memory_space<vmem>>[vector<16xi32>], vector<16xi32>, vector<16xi1>
          %add3A_832 = arith.constant 384 : i32
          %add3A_833 = vector.broadcast %add3A_832 : i32 to vector<16xi32>
          %add3A_834 = arith.addi %add3A_649, %add3A_833 : vector<16xi32>
          tpu.vector_store_idx %arg10[%add3A_834], %add3A_426 masked %lt3A_485 : memref<3072xi32, #tpu.memory_space<vmem>>[vector<16xi32>], vector<16xi32>, vector<16xi1>
          tpu.vector_store_idx %arg11[%add3A_834], %get3A_363 masked %lt3A_485 : memref<3072xi32, #tpu.memory_space<vmem>>[vector<16xi32>], vector<16xi32>, vector<16xi1>
          %add3A_835 = arith.constant 480 : i32
          %add3A_836 = vector.broadcast %add3A_835 : i32 to vector<16xi32>
          %add3A_837 = arith.addi %add3A_650, %add3A_836 : vector<16xi32>
          tpu.vector_store_idx %arg10[%add3A_837], %add3A_430 masked %lt3A_488 : memref<3072xi32, #tpu.memory_space<vmem>>[vector<16xi32>], vector<16xi32>, vector<16xi1>
          tpu.vector_store_idx %arg11[%add3A_837], %get3A_367 masked %lt3A_488 : memref<3072xi32, #tpu.memory_space<vmem>>[vector<16xi32>], vector<16xi32>, vector<16xi1>
          %add3A_838 = arith.constant 576 : i32
          %add3A_839 = vector.broadcast %add3A_838 : i32 to vector<16xi32>
          %add3A_840 = arith.addi %add3A_651, %add3A_839 : vector<16xi32>
          tpu.vector_store_idx %arg10[%add3A_840], %add3A_434 masked %lt3A_491 : memref<3072xi32, #tpu.memory_space<vmem>>[vector<16xi32>], vector<16xi32>, vector<16xi1>
          tpu.vector_store_idx %arg11[%add3A_840], %get3A_371 masked %lt3A_491 : memref<3072xi32, #tpu.memory_space<vmem>>[vector<16xi32>], vector<16xi32>, vector<16xi1>
          %add3A_841 = arith.constant 672 : i32
          %add3A_842 = vector.broadcast %add3A_841 : i32 to vector<16xi32>
          %add3A_843 = arith.addi %add3A_652, %add3A_842 : vector<16xi32>
          tpu.vector_store_idx %arg10[%add3A_843], %add3A_438 masked %lt3A_494 : memref<3072xi32, #tpu.memory_space<vmem>>[vector<16xi32>], vector<16xi32>, vector<16xi1>
          tpu.vector_store_idx %arg11[%add3A_843], %get3A_375 masked %lt3A_494 : memref<3072xi32, #tpu.memory_space<vmem>>[vector<16xi32>], vector<16xi32>, vector<16xi1>
          %add3A_844 = arith.constant 768 : i32
          %add3A_845 = vector.broadcast %add3A_844 : i32 to vector<16xi32>
          %add3A_846 = arith.addi %add3A_653, %add3A_845 : vector<16xi32>
          tpu.vector_store_idx %arg10[%add3A_846], %add3A_442 masked %lt3A_497 : memref<3072xi32, #tpu.memory_space<vmem>>[vector<16xi32>], vector<16xi32>, vector<16xi1>
          tpu.vector_store_idx %arg11[%add3A_846], %get3A_379 masked %lt3A_497 : memref<3072xi32, #tpu.memory_space<vmem>>[vector<16xi32>], vector<16xi32>, vector<16xi1>
          %add3A_847 = arith.constant 864 : i32
          %add3A_848 = vector.broadcast %add3A_847 : i32 to vector<16xi32>
          %add3A_849 = arith.addi %add3A_654, %add3A_848 : vector<16xi32>
          tpu.vector_store_idx %arg10[%add3A_849], %add3A_446 masked %lt3A_500 : memref<3072xi32, #tpu.memory_space<vmem>>[vector<16xi32>], vector<16xi32>, vector<16xi1>
          tpu.vector_store_idx %arg11[%add3A_849], %get3A_383 masked %lt3A_500 : memref<3072xi32, #tpu.memory_space<vmem>>[vector<16xi32>], vector<16xi32>, vector<16xi1>
          %add3A_850 = arith.constant 960 : i32
          %add3A_851 = vector.broadcast %add3A_850 : i32 to vector<16xi32>
          %add3A_852 = arith.addi %add3A_655, %add3A_851 : vector<16xi32>
          tpu.vector_store_idx %arg10[%add3A_852], %add3A_450 masked %lt3A_503 : memref<3072xi32, #tpu.memory_space<vmem>>[vector<16xi32>], vector<16xi32>, vector<16xi1>
          tpu.vector_store_idx %arg11[%add3A_852], %get3A_387 masked %lt3A_503 : memref<3072xi32, #tpu.memory_space<vmem>>[vector<16xi32>], vector<16xi32>, vector<16xi1>
          %add3A_853 = arith.constant 1056 : i32
          %add3A_854 = vector.broadcast %add3A_853 : i32 to vector<16xi32>
          %add3A_855 = arith.addi %add3A_656, %add3A_854 : vector<16xi32>
          tpu.vector_store_idx %arg10[%add3A_855], %add3A_454 masked %lt3A_506 : memref<3072xi32, #tpu.memory_space<vmem>>[vector<16xi32>], vector<16xi32>, vector<16xi1>
          tpu.vector_store_idx %arg11[%add3A_855], %get3A_391 masked %lt3A_506 : memref<3072xi32, #tpu.memory_space<vmem>>[vector<16xi32>], vector<16xi32>, vector<16xi1>
          %add3A_856 = arith.constant 1152 : i32
          %add3A_857 = vector.broadcast %add3A_856 : i32 to vector<16xi32>
          %add3A_858 = arith.addi %add3A_657, %add3A_857 : vector<16xi32>
          tpu.vector_store_idx %arg10[%add3A_858], %add3A_458 masked %lt3A_509 : memref<3072xi32, #tpu.memory_space<vmem>>[vector<16xi32>], vector<16xi32>, vector<16xi1>
          tpu.vector_store_idx %arg11[%add3A_858], %get3A_395 masked %lt3A_509 : memref<3072xi32, #tpu.memory_space<vmem>>[vector<16xi32>], vector<16xi32>, vector<16xi1>
          %add3A_859 = arith.constant 1248 : i32
          %add3A_860 = vector.broadcast %add3A_859 : i32 to vector<16xi32>
          %add3A_861 = arith.addi %add3A_658, %add3A_860 : vector<16xi32>
          tpu.vector_store_idx %arg10[%add3A_861], %add3A_462 masked %lt3A_512 : memref<3072xi32, #tpu.memory_space<vmem>>[vector<16xi32>], vector<16xi32>, vector<16xi1>
          tpu.vector_store_idx %arg11[%add3A_861], %get3A_399 masked %lt3A_512 : memref<3072xi32, #tpu.memory_space<vmem>>[vector<16xi32>], vector<16xi32>, vector<16xi1>
          %add3A_862 = arith.constant 1344 : i32
          %add3A_863 = vector.broadcast %add3A_862 : i32 to vector<16xi32>
          %add3A_864 = arith.addi %add3A_659, %add3A_863 : vector<16xi32>
          tpu.vector_store_idx %arg10[%add3A_864], %add3A_466 masked %lt3A_515 : memref<3072xi32, #tpu.memory_space<vmem>>[vector<16xi32>], vector<16xi32>, vector<16xi1>
          tpu.vector_store_idx %arg11[%add3A_864], %get3A_403 masked %lt3A_515 : memref<3072xi32, #tpu.memory_space<vmem>>[vector<16xi32>], vector<16xi32>, vector<16xi1>
          %add3A_865 = arith.constant 1440 : i32
          %add3A_866 = vector.broadcast %add3A_865 : i32 to vector<16xi32>
          %add3A_867 = arith.addi %add3A_660, %add3A_866 : vector<16xi32>
          tpu.vector_store_idx %arg10[%add3A_867], %add3A_470 masked %lt3A_518 : memref<3072xi32, #tpu.memory_space<vmem>>[vector<16xi32>], vector<16xi32>, vector<16xi1>
          tpu.vector_store_idx %arg11[%add3A_867], %get3A_407 masked %lt3A_518 : memref<3072xi32, #tpu.memory_space<vmem>>[vector<16xi32>], vector<16xi32>, vector<16xi1>
          scf.yield %gather3A_669, %gather3A_679, %gather3A_689, %gather3A_699, %gather3A_709, %gather3A_719, %gather3A_729, %gather3A_739, %gather3A_749, %gather3A_759, %gather3A_769, %gather3A_779, %gather3A_789, %gather3A_799, %gather3A_809, %gather3A_819, %reduce_max3A_277, %select_n3A : vector<16xi32>, vector<16xi32>, vector<16xi32>, vector<16xi32>, vector<16xi32>, vector<16xi32>, vector<16xi32>, vector<16xi32>, vector<16xi32>, vector<16xi32>, vector<16xi32>, vector<16xi32>, vector<16xi32>, vector<16xi32>, vector<16xi32>, vector<16xi32>, i32, i32
        }
        %scan3A_203 = arith.constant 16 : i32
        scf.yield %scan3A_202#0, %scan3A_202#1, %scan3A_202#2, %scan3A_202#3, %scan3A_202#4, %scan3A_202#5, %scan3A_202#6, %scan3A_202#7, %scan3A_202#8, %scan3A_202#9, %scan3A_202#10, %scan3A_202#11, %scan3A_202#12, %scan3A_202#13, %scan3A_202#14, %scan3A_202#15, %scan3A_202#16, %scan3A_202#17 : vector<16xi32>, vector<16xi32>, vector<16xi32>, vector<16xi32>, vector<16xi32>, vector<16xi32>, vector<16xi32>, vector<16xi32>, vector<16xi32>, vector<16xi32>, vector<16xi32>, vector<16xi32>, vector<16xi32>, vector<16xi32>, vector<16xi32>, vector<16xi32>, i32, i32
      }
      %scan3A_90 = arith.constant 128 : i32
      %rem3A_91 = arith.constant 2 : i32
      %rem3A_92 = arith.remsi %scan3A_89#17, %rem3A_91 : i32
      %sub3A_93 = arith.constant 1 : i32
      %sub3A_94 = arith.subi %sub3A_93, %rem3A_92 : i32
      %ge3A = arith.constant 1 : i32
      %ge3A_95 = arith.cmpi sge, %scan3A_89#17, %ge3A : i32
      %convert_element_type3A_96 = arith.extui %ge3A_95 : i1 to i32
      %cond3A_97 = arith.constant 0 : i32
      %cond3A_98 = arith.cmpi ne, %convert_element_type3A_96, %cond3A_97 : i32
      scf.if %cond3A_98 {
        %mul3A_142 = arith.constant 1536 : i32
        %mul3A_143 = arith.muli %sub3A_94, %mul3A_142 : i32
        %dma_wait3A_144 = tpu.memref_slice %arg11[%mul3A_143] : memref<3072xi32, #tpu.memory_space<vmem>> -> memref<1536xi32, #tpu.memory_space<vmem>>
        %dma_wait3A_145 = tpu.memref_slice %arg10[%mul3A_143] : memref<3072xi32, #tpu.memory_space<vmem>> -> memref<1536xi32, #tpu.memory_space<vmem>>
        %dma_wait3A_146 = arith.constant 0 : i32
        %dma_wait3A_147 = tpu.memref_slice %arg6[%dma_wait3A_146] : memref<1600000xi32, #tpu.memory_space<vmem_shared>> -> memref<1600000xi32, #tpu.memory_space<vmem_shared>>
        tpu.wait_indirect_dma semaphore(%arg15 : memref<!tpu.dma_semaphore, #tpu.memory_space<semaphore_mem>>) src(%dma_wait3A_144 : memref<1536xi32, #tpu.memory_space<vmem>>) dst(%dma_wait3A_147 : memref<1600000xi32, #tpu.memory_space<vmem_shared>>)
        %mul3A_148 = arith.constant 1536 : i32
        %mul3A_149 = arith.muli %sub3A_94, %mul3A_148 : i32
        "tpu.region"() ({
          %run_scoped3A = tpu.sem_alloc : memref<!tpu.dma_semaphore, #tpu.memory_space<semaphore_mem>>
          %dma_start3A_150 = tpu.memref_slice %arg11[%mul3A_149] : memref<3072xi32, #tpu.memory_space<vmem>> -> memref<1536xi32, #tpu.memory_space<vmem>>
          %dma_start3A_151 = tpu.memref_slice %arg11[%mul3A_149] : memref<3072xi32, #tpu.memory_space<vmem>> -> memref<1536xi32, #tpu.memory_space<vmem>>
          tpu.enqueue_dma source(%arg7 : memref<1536xi32, #tpu.memory_space<vmem_shared>>) target(%dma_start3A_151 : memref<1536xi32, #tpu.memory_space<vmem>>) target_semaphore(%run_scoped3A : memref<!tpu.dma_semaphore, #tpu.memory_space<semaphore_mem>>)
          %dma_wait3A_152 = tpu.memref_slice %arg11[%mul3A_149] : memref<3072xi32, #tpu.memory_space<vmem>> -> memref<1536xi32, #tpu.memory_space<vmem>>
          %dma_wait3A_153 = tpu.memref_slice %arg11[%mul3A_149] : memref<3072xi32, #tpu.memory_space<vmem>> -> memref<1536xi32, #tpu.memory_space<vmem>>
          tpu.wait_dma2 semaphore(%run_scoped3A : memref<!tpu.dma_semaphore, #tpu.memory_space<semaphore_mem>>) src(%arg7 : memref<1536xi32, #tpu.memory_space<vmem_shared>>) dst(%dma_wait3A_153 : memref<1536xi32, #tpu.memory_space<vmem>>)
          tpu.yield
        }) : () -> ()
      } else {
      }
      %rem3A_99 = arith.constant 2 : i32
      %rem3A_100 = arith.remsi %scan3A_89#17, %rem3A_99 : i32
      %mul3A_101 = arith.constant 1536 : i32
      %mul3A_102 = arith.muli %rem3A_100, %mul3A_101 : i32
      %mul3A_103 = arith.constant 1536 : i32
      %mul3A_104 = arith.muli %rem3A_100, %mul3A_103 : i32
      "tpu.region"() ({
        %run_scoped3A = tpu.sem_alloc : memref<!tpu.dma_semaphore, #tpu.memory_space<semaphore_mem>>
        %dma_start3A_142 = tpu.memref_slice %arg11[%mul3A_102] : memref<3072xi32, #tpu.memory_space<vmem>> -> memref<1536xi32, #tpu.memory_space<vmem>>
        %dma_start3A_143 = tpu.memref_slice %arg10[%mul3A_104] : memref<3072xi32, #tpu.memory_space<vmem>> -> memref<1536xi32, #tpu.memory_space<vmem>>
        %dma_start3A_144 = arith.constant 0 : i32
        %dma_start3A_145 = tpu.memref_slice %arg6[%dma_start3A_144] : memref<1600000xi32, #tpu.memory_space<vmem_shared>> -> memref<1600000xi32, #tpu.memory_space<vmem_shared>>
        tpu.enqueue_indirect_dma source(%dma_start3A_142 : memref<1536xi32, #tpu.memory_space<vmem>>) target(%dma_start3A_145 : memref<1600000xi32, #tpu.memory_space<vmem_shared>>) offsets(%dma_start3A_143 : memref<1536xi32, #tpu.memory_space<vmem>>) semaphore(%run_scoped3A : memref<!tpu.dma_semaphore, #tpu.memory_space<semaphore_mem>>) {add = true}
        %dma_wait3A_146 = tpu.memref_slice %arg11[%mul3A_102] : memref<3072xi32, #tpu.memory_space<vmem>> -> memref<1536xi32, #tpu.memory_space<vmem>>
        %dma_wait3A_147 = tpu.memref_slice %arg10[%mul3A_104] : memref<3072xi32, #tpu.memory_space<vmem>> -> memref<1536xi32, #tpu.memory_space<vmem>>
        %dma_wait3A_148 = arith.constant 0 : i32
        %dma_wait3A_149 = tpu.memref_slice %arg6[%dma_wait3A_148] : memref<1600000xi32, #tpu.memory_space<vmem_shared>> -> memref<1600000xi32, #tpu.memory_space<vmem_shared>>
        tpu.wait_indirect_dma semaphore(%run_scoped3A : memref<!tpu.dma_semaphore, #tpu.memory_space<semaphore_mem>>) src(%dma_wait3A_146 : memref<1536xi32, #tpu.memory_space<vmem>>) dst(%dma_wait3A_149 : memref<1600000xi32, #tpu.memory_space<vmem_shared>>)
        tpu.yield
      }) : () -> ()
      %mul3A_105 = arith.constant 1536 : i32
      %mul3A_106 = arith.muli %rem3A_100, %mul3A_105 : i32
      "tpu.region"() ({
        %run_scoped3A = tpu.sem_alloc : memref<!tpu.dma_semaphore, #tpu.memory_space<semaphore_mem>>
        %dma_start3A_142 = tpu.memref_slice %arg11[%mul3A_106] : memref<3072xi32, #tpu.memory_space<vmem>> -> memref<1536xi32, #tpu.memory_space<vmem>>
        %dma_start3A_143 = tpu.memref_slice %arg11[%mul3A_106] : memref<3072xi32, #tpu.memory_space<vmem>> -> memref<1536xi32, #tpu.memory_space<vmem>>
        tpu.enqueue_dma source(%arg7 : memref<1536xi32, #tpu.memory_space<vmem_shared>>) target(%dma_start3A_143 : memref<1536xi32, #tpu.memory_space<vmem>>) target_semaphore(%run_scoped3A : memref<!tpu.dma_semaphore, #tpu.memory_space<semaphore_mem>>)
        %dma_wait3A_144 = tpu.memref_slice %arg11[%mul3A_106] : memref<3072xi32, #tpu.memory_space<vmem>> -> memref<1536xi32, #tpu.memory_space<vmem>>
        %dma_wait3A_145 = tpu.memref_slice %arg11[%mul3A_106] : memref<3072xi32, #tpu.memory_space<vmem>> -> memref<1536xi32, #tpu.memory_space<vmem>>
        tpu.wait_dma2 semaphore(%run_scoped3A : memref<!tpu.dma_semaphore, #tpu.memory_space<semaphore_mem>>) src(%arg7 : memref<1536xi32, #tpu.memory_space<vmem_shared>>) dst(%dma_wait3A_145 : memref<1536xi32, #tpu.memory_space<vmem>>)
        tpu.yield
      }) : () -> ()
      %barrier3A_107 = arith.constant 0 : index
      tpu.barrier barrier_id(%barrier3A_107)
      %scan3A_108 = arith.constant 0 : i32
      %scan3A_109 = arith.constant 0 : i32
      %scan3A_110 = arith.constant 25 : i32
      %scan3A_111 = arith.addi %scan3A_109, %scan3A_110 : i32
      %scan3A_112 = arith.constant 1 : i32
      %scan3A_113 = scf.for %scan3A_142 = %scan3A_109 to %scan3A_111 step %scan3A_112 iter_args(%scan3A_143 = %scan3A_108) -> (i32)  : i32 {
        %ge3A_144 = arith.constant 2 : i32
        %ge3A_145 = arith.cmpi sge, %scan3A_142, %ge3A_144 : i32
        %convert_element_type3A_146 = arith.extui %ge3A_145 : i1 to i32
        %cond3A_147 = arith.constant 0 : i32
        %cond3A_148 = arith.cmpi ne, %convert_element_type3A_146, %cond3A_147 : i32
        scf.if %cond3A_148 {
          %sub3A_172 = arith.constant 2 : i32
          %sub3A_173 = arith.subi %scan3A_142, %sub3A_172 : i32
          %rem3A_174 = arith.constant 2 : i32
          %rem3A_175 = arith.remsi %sub3A_173, %rem3A_174 : i32
          %mul3A_176 = arith.constant 4000 : i32
          %mul3A_177 = arith.muli %rem3A_175, %mul3A_176 : i32
          %mul3A_178 = arith.constant 4000 : i32
          %mul3A_179 = arith.muli %sub3A_173, %mul3A_178 : i32
          %add3A_180 = arith.addi %add3A_24, %mul3A_179 : i32
          %dma_wait3A_181 = tpu.memref_slice %arg12[%mul3A_177] : memref<8000xi32, #tpu.memory_space<vmem>> -> memref<4000xi32, #tpu.memory_space<vmem>>
          %dma_wait3A_182 = tpu.memref_slice %arg5[%add3A_180] : memref<32000000xi32, #tpu.memory_space<hbm>> -> memref<4000xi32, #tpu.memory_space<hbm>>
          %dma_wait3A_183 = tpu.memref_slice %arg14[%rem3A_175] : memref<2x!tpu.dma_semaphore, #tpu.memory_space<semaphore_mem>> -> memref<1x!tpu.dma_semaphore, #tpu.memory_space<semaphore_mem>>
          %dma_wait3A_184 = tpu.memref_squeeze %dma_wait3A_183 : memref<1x!tpu.dma_semaphore, #tpu.memory_space<semaphore_mem>> -> memref<!tpu.dma_semaphore, #tpu.memory_space<semaphore_mem>>
          %dma_wait3A_185 = tpu.memref_slice %arg5[%add3A_180] : memref<32000000xi32, #tpu.memory_space<hbm>> -> memref<4000xi32, #tpu.memory_space<hbm>>
          %dma_wait3A_186 = tpu.memref_slice %arg12[%mul3A_177] : memref<8000xi32, #tpu.memory_space<vmem>> -> memref<4000xi32, #tpu.memory_space<vmem>>
          tpu.wait_dma2 semaphore(%dma_wait3A_184 : memref<!tpu.dma_semaphore, #tpu.memory_space<semaphore_mem>>) src(%dma_wait3A_186 : memref<4000xi32, #tpu.memory_space<vmem>>) dst(%dma_wait3A_185 : memref<4000xi32, #tpu.memory_space<hbm>>)
        } else {
        }
        %rem3A_149 = arith.constant 2 : i32
        %rem3A_150 = arith.remsi %scan3A_142, %rem3A_149 : i32
        %mul3A_151 = arith.constant 100000 : i32
        %mul3A_152 = arith.muli %arg1, %mul3A_151 : i32
        %mul3A_153 = arith.constant 4000 : i32
        %mul3A_154 = arith.muli %scan3A_142, %mul3A_153 : i32
        %add3A_155 = arith.addi %mul3A_152, %mul3A_154 : i32
        %mul3A_156 = arith.constant 4000 : i32
        %mul3A_157 = arith.muli %rem3A_150, %mul3A_156 : i32
        "tpu.region"() ({
          %run_scoped3A = tpu.sem_alloc : memref<!tpu.dma_semaphore, #tpu.memory_space<semaphore_mem>>
          %dma_start3A_172 = tpu.memref_slice %arg12[%mul3A_157] : memref<8000xi32, #tpu.memory_space<vmem>> -> memref<4000xi32, #tpu.memory_space<vmem>>
          %dma_start3A_173 = tpu.memref_slice %arg6[%add3A_155] : memref<1600000xi32, #tpu.memory_space<vmem_shared>> -> memref<4000xi32, #tpu.memory_space<vmem_shared>>
          %dma_start3A_174 = tpu.memref_slice %arg12[%mul3A_157] : memref<8000xi32, #tpu.memory_space<vmem>> -> memref<4000xi32, #tpu.memory_space<vmem>>
          %dma_start3A_175 = tpu.memref_slice %arg6[%add3A_155] : memref<1600000xi32, #tpu.memory_space<vmem_shared>> -> memref<4000xi32, #tpu.memory_space<vmem_shared>>
          tpu.enqueue_dma source(%dma_start3A_175 : memref<4000xi32, #tpu.memory_space<vmem_shared>>) target(%dma_start3A_174 : memref<4000xi32, #tpu.memory_space<vmem>>) target_semaphore(%run_scoped3A : memref<!tpu.dma_semaphore, #tpu.memory_space<semaphore_mem>>)
          %dma_wait3A_176 = tpu.memref_slice %arg12[%mul3A_157] : memref<8000xi32, #tpu.memory_space<vmem>> -> memref<4000xi32, #tpu.memory_space<vmem>>
          %dma_wait3A_177 = tpu.memref_slice %arg6[%add3A_155] : memref<1600000xi32, #tpu.memory_space<vmem_shared>> -> memref<4000xi32, #tpu.memory_space<vmem_shared>>
          %dma_wait3A_178 = tpu.memref_slice %arg12[%mul3A_157] : memref<8000xi32, #tpu.memory_space<vmem>> -> memref<4000xi32, #tpu.memory_space<vmem>>
          %dma_wait3A_179 = tpu.memref_slice %arg6[%add3A_155] : memref<1600000xi32, #tpu.memory_space<vmem_shared>> -> memref<4000xi32, #tpu.memory_space<vmem_shared>>
          tpu.wait_dma2 semaphore(%run_scoped3A : memref<!tpu.dma_semaphore, #tpu.memory_space<semaphore_mem>>) src(%dma_wait3A_179 : memref<4000xi32, #tpu.memory_space<vmem_shared>>) dst(%dma_wait3A_178 : memref<4000xi32, #tpu.memory_space<vmem>>)
          tpu.yield
        }) : () -> ()
        %rem3A_158 = arith.constant 2 : i32
        %rem3A_159 = arith.remsi %scan3A_142, %rem3A_158 : i32
        %mul3A_160 = arith.constant 4000 : i32
        %mul3A_161 = arith.muli %rem3A_159, %mul3A_160 : i32
        %mul3A_162 = arith.constant 4000 : i32
        %mul3A_163 = arith.muli %scan3A_142, %mul3A_162 : i32
        %add3A_164 = arith.addi %add3A_24, %mul3A_163 : i32
        %dma_start3A_165 = tpu.memref_slice %arg12[%mul3A_161] : memref<8000xi32, #tpu.memory_space<vmem>> -> memref<4000xi32, #tpu.memory_space<vmem>>
        %dma_start3A_166 = tpu.memref_slice %arg5[%add3A_164] : memref<32000000xi32, #tpu.memory_space<hbm>> -> memref<4000xi32, #tpu.memory_space<hbm>>
        %dma_start3A_167 = tpu.memref_slice %arg14[%rem3A_159] : memref<2x!tpu.dma_semaphore, #tpu.memory_space<semaphore_mem>> -> memref<1x!tpu.dma_semaphore, #tpu.memory_space<semaphore_mem>>
        %dma_start3A_168 = tpu.memref_squeeze %dma_start3A_167 : memref<1x!tpu.dma_semaphore, #tpu.memory_space<semaphore_mem>> -> memref<!tpu.dma_semaphore, #tpu.memory_space<semaphore_mem>>
        %dma_start3A_169 = tpu.memref_slice %arg5[%add3A_164] : memref<32000000xi32, #tpu.memory_space<hbm>> -> memref<4000xi32, #tpu.memory_space<hbm>>
        %dma_start3A_170 = tpu.memref_slice %arg12[%mul3A_161] : memref<8000xi32, #tpu.memory_space<vmem>> -> memref<4000xi32, #tpu.memory_space<vmem>>
        tpu.enqueue_dma source(%dma_start3A_170 : memref<4000xi32, #tpu.memory_space<vmem>>) target(%dma_start3A_169 : memref<4000xi32, #tpu.memory_space<hbm>>) target_semaphore(%dma_start3A_168 : memref<!tpu.dma_semaphore, #tpu.memory_space<semaphore_mem>>)
        %scan3A_171 = arith.constant 0 : i32
        scf.yield %scan3A_171 : i32
      }
      %scan3A_114 = arith.constant 25 : i32
      %rem3A_115 = arith.constant 23 : i32
      %rem3A_116 = arith.constant 2 : i32
      %rem3A_117 = arith.remsi %rem3A_115, %rem3A_116 : i32
      %mul3A_118 = arith.constant 4000 : i32
      %mul3A_119 = arith.muli %rem3A_117, %mul3A_118 : i32
      %add3A_120 = arith.constant 92000 : i32
      %add3A_121 = arith.addi %add3A_24, %add3A_120 : i32
      %dma_wait3A = tpu.memref_slice %arg12[%mul3A_119] : memref<8000xi32, #tpu.memory_space<vmem>> -> memref<4000xi32, #tpu.memory_space<vmem>>
      %dma_wait3A_122 = tpu.memref_slice %arg5[%add3A_121] : memref<32000000xi32, #tpu.memory_space<hbm>> -> memref<4000xi32, #tpu.memory_space<hbm>>
      %dma_wait3A_123 = tpu.memref_slice %arg14[%rem3A_117] : memref<2x!tpu.dma_semaphore, #tpu.memory_space<semaphore_mem>> -> memref<1x!tpu.dma_semaphore, #tpu.memory_space<semaphore_mem>>
      %dma_wait3A_124 = tpu.memref_squeeze %dma_wait3A_123 : memref<1x!tpu.dma_semaphore, #tpu.memory_space<semaphore_mem>> -> memref<!tpu.dma_semaphore, #tpu.memory_space<semaphore_mem>>
      %dma_wait3A_125 = tpu.memref_slice %arg5[%add3A_121] : memref<32000000xi32, #tpu.memory_space<hbm>> -> memref<4000xi32, #tpu.memory_space<hbm>>
      %dma_wait3A_126 = tpu.memref_slice %arg12[%mul3A_119] : memref<8000xi32, #tpu.memory_space<vmem>> -> memref<4000xi32, #tpu.memory_space<vmem>>
      tpu.wait_dma2 semaphore(%dma_wait3A_124 : memref<!tpu.dma_semaphore, #tpu.memory_space<semaphore_mem>>) src(%dma_wait3A_126 : memref<4000xi32, #tpu.memory_space<vmem>>) dst(%dma_wait3A_125 : memref<4000xi32, #tpu.memory_space<hbm>>)
      %rem3A_127 = arith.constant 24 : i32
      %rem3A_128 = arith.constant 2 : i32
      %rem3A_129 = arith.remsi %rem3A_127, %rem3A_128 : i32
      %mul3A_130 = arith.constant 4000 : i32
      %mul3A_131 = arith.muli %rem3A_129, %mul3A_130 : i32
      %add3A_132 = arith.constant 96000 : i32
      %add3A_133 = arith.addi %add3A_24, %add3A_132 : i32
      %dma_wait3A_134 = tpu.memref_slice %arg12[%mul3A_131] : memref<8000xi32, #tpu.memory_space<vmem>> -> memref<4000xi32, #tpu.memory_space<vmem>>
      %dma_wait3A_135 = tpu.memref_slice %arg5[%add3A_133] : memref<32000000xi32, #tpu.memory_space<hbm>> -> memref<4000xi32, #tpu.memory_space<hbm>>
      %dma_wait3A_136 = tpu.memref_slice %arg14[%rem3A_129] : memref<2x!tpu.dma_semaphore, #tpu.memory_space<semaphore_mem>> -> memref<1x!tpu.dma_semaphore, #tpu.memory_space<semaphore_mem>>
      %dma_wait3A_137 = tpu.memref_squeeze %dma_wait3A_136 : memref<1x!tpu.dma_semaphore, #tpu.memory_space<semaphore_mem>> -> memref<!tpu.dma_semaphore, #tpu.memory_space<semaphore_mem>>
      %dma_wait3A_138 = tpu.memref_slice %arg5[%add3A_133] : memref<32000000xi32, #tpu.memory_space<hbm>> -> memref<4000xi32, #tpu.memory_space<hbm>>
      %dma_wait3A_139 = tpu.memref_slice %arg12[%mul3A_131] : memref<8000xi32, #tpu.memory_space<vmem>> -> memref<4000xi32, #tpu.memory_space<vmem>>
      tpu.wait_dma2 semaphore(%dma_wait3A_137 : memref<!tpu.dma_semaphore, #tpu.memory_space<semaphore_mem>>) src(%dma_wait3A_139 : memref<4000xi32, #tpu.memory_space<vmem>>) dst(%dma_wait3A_138 : memref<4000xi32, #tpu.memory_space<hbm>>)
      %barrier3A_140 = arith.constant 0 : index
      tpu.barrier barrier_id(%barrier3A_140)
      %scan3A_141 = arith.constant 0 : i32
      scf.yield %scan3A_141 : i32
    }
    %scan3A_14 = arith.constant 10 : i32
    return
  }
}

</mosaic_0001>

<sc_bundles>
// kernel: kernel.3.cloned.1.call-start
scs
__scs_entry_jumppad:
0x0: {  	(pc) =	sbr.rel $0x88, $3  }
0x1: {  	(tag) =	ssettag $0x0;
	lr =	simm.s32 $0x1  }
0x2: {  	[smem:$0x3F9E] =	sst lr;
	_ =	strace $0xD0000000  }
0x3: {  	_ = 	snop  }
0x4: {  	_ = 	snop  }
0x5: {  	_ = 	snop  }
0x6: {  	_ = 	snop  }
0x7: {  	_ = 	snop  }
__scs_overlays_trampoline_lowered:
0x8: {  	[smem:$0x3FAD] =	sst s0  }
0x9: {  	[smem:$0x3FAE] =	sst s1  }
0xa: {  	[smem:$0x3FAF] =	sst s2  }
0xb: {  	[smem:$0x3FB0] =	sst s3  }
0xc: {  	[smem:$0x3FB1] =	sst s4  }
0xd: {  	[smem:$0x3FB2] =	sst s5  }
0xe: {  	[smem:$0x3FB3] =	sst s6  }
0xf: {  	[smem:$0x3FB4] =	sst s7  }
0x10: {  	[smem:$0x3FB5] =	sst s8  }
0x11: {  	[smem:$0x3FB6] =	sst s9;
	s0 =	simm.s32 @!p0 $0x0  }
0x12: {  	s1 =	sld [smem:$0x3F9C];
	s0 =	simm.s32 @p0 $0x1  }
0x13: {  	[smem:$0x3FB7] =	sst s0;
	s0 =	simm.s32 @!p1 $0x0  }
0x14: {  	s2 =	sld [smem:$0x3F9B];
	s0 =	simm.s32 @p1 $0x1  }
0x15: {  	[smem:$0x3FB8] =	sst s0;
	s0 =	simm.s32 @!p2 $0x0  }
0x16: {  	s3 =	sld [smem:$0x3FDB];
	s0 =	simm.s32 @p2 $0x1  }
0x17: {  	s4 =	simm.s32 $0x1BF5;
	[smem:$0x3FBA] =	sst s0  }
0x18: {  	s0 =	sld [smem:$0x3F9D];
	_ =	swait.ge [sflag:s4], $0x0  }
0x19: {  	s7 =	sld [smem:$0x3F9E]  }
0x1a: {  	s8 =	sadd.s32 $0xFFFFE003, lr  }
0x1b: {  	s9 =	sadd.s32 $0xFFFFFEF7, lr;
	s5 =	simm.s32 $0xFFFFFFFF;
	p2 =	slt.u32 s8, $0xFFFFF086  }
0x1c: {  	p1 =	slt.u32 s9, $0xF7A;
	s5 =	simm.s32 @!p2 $0x0  }
0x1d: {  	s5 =	simm.s32 @p1 $0x1;
	p0 =	seq.s32 s7, s2  }
0x1e: {  	s7 =	smul.u32 @!p0 $0xF7A, s2;
	p2 =	seq.s32 @!p0 s5, $0x0  }
0x1f: {  	s9 =	smul.u32 $0xF7A, s1;
	s8 =	simm.s32 @!p0 $0x1BF5;
	p2 =	por !p2, p0  }
0x20: {  	[sflag:s8] =	ssyncset.s32 @!p0 $0xFFFFF086;
	s6 =	sadd.s32 @!p0 s3, s7;
	s7 =	simm.s32 @!p0 $0x108  }
0x21: {  	s3 =	sadd.s32 s3, s9;
	s6 =	sadd.s32 @!p0 $0x88, s6;
	s7 =	simm.s32 @p2 $0x1082  }
0x22: {  	[simem:s7], [sflag:s8] =	dma.local @!p0 [hbm:s6], $0xF7A  }
0x23: {  	s9 =	sor.u32 $0xD0000000, s2;
	s6 =	simm.s32 $0x108;
	_ =	swait.ge @!p0 [sflag:s8], $0x0  }
0x24: {  	s3 =	sadd.s32 $0x88, s3;
	s6 =	simm.s32 @!p1 $0x1082;
	[sflag:s4] =	ssyncset.s32 $0xFFFFF086  }
0x25: {  	[simem:s6], [sflag:s4] =	dma.local [hbm:s3], $0xF7A  }
0x26: {  	[smem:$0x3F9E] =	sst s1;
	(tag) =	ssettag s2;
	_ =	strace s9  }
0x27: {  	s1 =	sld [smem:$0x3FAE]  }
0x28: {  	s2 =	sld [smem:$0x3FAF]  }
0x29: {  	s4 =	sld [smem:$0x3FB1]  }
0x2a: {  	p0 =	seq.s32 s5, $0x0;
	s5 =	sld [smem:$0x3FB2]  }
0x2b: {  	s6 =	sld [smem:$0x3FB3]  }
0x2c: {  	s7 =	sld [smem:$0x3FB4]  }
0x2d: {  	s3 =	simm.s32 $0x108;
	s8 =	sld [smem:$0x3FB5]  }
0x2e: {  	s3 =	simm.s32 @!p0 $0x1082;
	s9 =	sld [smem:$0x3FB6]  }
0x2f: {  	lr =	sadd.s32 s0, s3;
	s0 =	sld [smem:$0x3FAD]  }
0x30: {  	s3 =	sld [smem:$0x3FB0]  }
0x31: {  	[smem:$0x3FB9] =	sst s10  }
0x32: {  	s10 =	sld [smem:$0x3FB7];
	_ =	sdelay $0x3  }
0x33: {  	p0 =	seq.s32 s10, $0x1;
	s10 =	sld [smem:$0x3FB9];
	_ =	sdelay $0x3  }
0x34: {  	[smem:$0x3FB9] =	sst s10  }
0x35: {  	s10 =	sld [smem:$0x3FB8];
	_ =	sdelay $0x3  }
0x36: {  	p1 =	seq.s32 s10, $0x1;
	s10 =	sld [smem:$0x3FB9];
	_ =	sdelay $0x3  }
0x37: {  	[smem:$0x3FB9] =	sst s10  }
0x38: {  	s10 =	sld [smem:$0x3FBA]  }
0x39: {  	_ = 	snop;
	(pc) =	sbr.ind lr, $3  }
0x3a: {  	_ = 	snop  }
0x3b: {  	_ = 	snop  }
0x3c: {  	p2 =	seq.s32 s10, $0x1;
	s10 =	sld [smem:$0x3FB9]  }
0x3d: {  	_ =	shalt  }
0x3e: {  	_ =	shalt  }
0x3f: {  	_ =	shalt  }
0x40: {  	_ =	shalt  }
0x41: {  	_ =	shalt  }
0x42: {  	_ =	shalt  }
0x43: {  	_ =	shalt  }
0x44: {  	_ =	shalt  }
0x45: {  	_ =	shalt  }
0x46: {  	_ =	shalt  }
0x47: {  	_ =	shalt  }
0x48: {  	_ =	shalt  }
0x49: {  	_ =	shalt  }
0x4a: {  	_ =	shalt  }
0x4b: {  	_ =	shalt  }
0x4c: {  	_ =	shalt  }
0x4d: {  	_ =	shalt  }
0x4e: {  	_ =	shalt  }
0x4f: {  	_ =	shalt  }
0x50: {  	_ =	shalt  }
0x51: {  	_ =	shalt  }
0x52: {  	_ =	shalt  }
0x53: {  	_ =	shalt  }
0x54: {  	_ =	shalt  }
0x55: {  	_ =	shalt  }
0x56: {  	_ =	shalt  }
0x57: {  	_ =	shalt  }
0x58: {  	_ =	shalt  }
0x59: {  	_ =	shalt  }
0x5a: {  	_ =	shalt  }
0x5b: {  	_ =	shalt  }
0x5c: {  	_ =	shalt  }
0x5d: {  	_ =	shalt  }
0x5e: {  	_ =	shalt  }
0x5f: {  	_ =	shalt  }
0x60: {  	_ =	shalt  }
0x61: {  	_ =	shalt  }
0x62: {  	_ =	shalt  }
0x63: {  	_ =	shalt  }
0x64: {  	_ =	shalt  }
0x65: {  	_ =	shalt  }
0x66: {  	_ =	shalt  }
0x67: {  	_ =	shalt  }
0x68: {  	_ =	shalt  }
0x69: {  	_ =	shalt  }
0x6a: {  	_ =	shalt  }
0x6b: {  	_ =	shalt  }
0x6c: {  	_ =	shalt  }
0x6d: {  	_ =	shalt  }
0x6e: {  	_ =	shalt  }
0x6f: {  	_ =	shalt  }
0x70: {  	_ =	shalt  }
0x71: {  	_ =	shalt  }
0x72: {  	_ =	shalt  }
0x73: {  	_ =	shalt  }
0x74: {  	_ =	shalt  }
0x75: {  	_ =	shalt  }
0x76: {  	_ =	shalt  }
0x77: {  	_ =	shalt  }
0x78: {  	_ =	shalt  }
0x79: {  	_ =	shalt  }
0x7a: {  	_ =	shalt  }
0x7b: {  	_ =	shalt  }
0x7c: {  	_ =	shalt  }
0x7d: {  	_ =	shalt  }
0x7e: {  	_ =	shalt  }
0x7f: {  	_ =	shalt  }
0x80: {  	_ =	shalt  }
0x81: {  	_ =	shalt  }
0x82: {  	_ =	shalt  }
0x83: {  	_ =	shalt  }
0x84: {  	_ =	shalt  }
0x85: {  	_ =	shalt  }
0x86: {  	_ =	shalt  }
0x87: {  	_ =	shalt  }
.Lfunc_end0:
.L_simem_size_0:
called_computation.1_lowered:
.L_overlay_start_0:
0x88: {  	s2 =	sld [smem:$0x3FD9]  }
0x89: {  	s3 =	sld [smem:$0x3FFE];
	_ =	sdelay $0x1  }
0x8a: {  	s1 =	srdreg.scid  }
0x8b: {  	s0 =	sand.u32 $0x1, s1  }
0x8c: {  	s17 =	sshll.u32 s0, $0xA;
	s2 =	sadd.s32 s3, s2  }
0x8d: {  	s2 =	sadd.s32 s2, s17  }
0x8e: {  	[smem:$0x3FC5] =	sst s2  }
0x8f: {  	_ = 	snop  }
0x90: {  	s2 =	sld [smem:$0x3FD0];
	(tm) =	ssettm $0x1  }
0x91: {  	s18 =	sld [smem:$0x3FFB];
	_ =	sdelay $0x3  }
0x92: {  	_ =	strace s18  }
0x93: {  	s3 =	sld [smem:$0x3FFC];
	_ =	sdelay $0x3  }
0x94: {  	_ =	strace s3  }
0x95: {  	s3 =	sld [smem:$0x3FFD];
	_ =	sdelay $0x3  }
0x96: {  	_ =	strace s3  }
0x97: {  	_ =	strace $0x8FFFFFFF  }
0x98: {  	s19 =	sld [smem:$0x3FDB];
	_ =	sdelay $0x1  }
0x99: {  	s4 =	simm.s32 $_scs_section_size  }
0x9a: {  	s5 =	simm.s32 $_size__tile_overlayer_lowered;
	s6 =	simm.s32 $_tile_overlayer_lowered  }
0x9b: {  	s22 =	simm.s32 $0x1BFF;
	s21 =	sshll.u32 s6, $0x1;
	s3 =	sadd.s32 s4, s19  }
0x9c: {  	s7 =	simm.s32 $0x0;
	s20 =	sshll.u32 s5, $0x1;
	s5 =	sadd.s32 s21, s3  }
0x9d: {  	[timem:s7], [sflag:s22] =	dma.local [hbm:s5], s20  }
0x9e: {  	_ =	swait.ge [sflag:s22], s20  }
0x9f: {  	s4 =	ssub.s32 $0x0, s20;
	[sflag:s22] =	ssyncset.done $0x0  }
0xa0: {  	[sflag:s22] =	ssyncadd.s32 s4;
	_ =	sdelay $0x1  }
0xa1: {  	s23 =	simm.s32 $0x1B8B  }
0xa2: {  	_ =	swait.ge [sflag:s23], $0x1  }
0xa3: {  	[sflag:s23] =	ssyncset.done $0x0  }
0xa4: {  	s25 =	simm.s32 $0x1B8E;
	s24 =	sld [smem:$0x3FFE];
	[sflag:s23] =	ssyncadd.s32 $0xFFFFFFFF  }
0xa5: {  	s26 =	simm.s32 $execute0_lowered;
	[smem:$0x3FD2] =	sst s25  }
0xa6: {  	s5 =	sshll.u32 s26, $0x1;
	_ =	strace $0x80000046;
	[dreg:$0x1] =	wrdreg $0xFFFFFFFF  }
0xa7: {  	s28 =	simm.s32 $_size_execute0_lowered;
	s3 =	sadd.s32 s3, s5;
	[dreg:$0x0] =	wrdreg $0x0  }
0xa8: {  	s5 =	sshll.u32 s28, $0x1;
	[dreg:$0x2] =	wrdreg s3  }
0xa9: {  	[dreg:$0x3] =	wrdreg s5  }
0xaa: {  	[dreg:$0x4] =	wrdreg $0xC0  }
0xab: {  	_ =	task [dreg:s7], $0x5FFFF  }
0xac: {  	[dreg:$0x1] =	wrdreg $0xFFFFFFFF  }
0xad: {  	[dreg:$0x0] =	wrdreg $0x60  }
0xae: {  	[dreg:$0x2] =	wrdreg s2  }
0xaf: {  	[dreg:$0x3] =	wrdreg s24  }
0xb0: {  	[dreg:$0x4] =	wrdreg $0x186A00  }
0xb1: {  	[dreg:$0x5] =	wrdreg $0x0  }
0xb2: {  	[dreg:$0x6] =	wrdreg $0x9  }
0xb3: {  	_ =	task.clear_ibuf [dreg:s7], $0x7FFFF;
	_ =	strace $0x90000046  }
0xb4: {  	s29 =	simm.s32 $0x9;
	_ =	strace $0x80000048  }
0xb5: {  	_ =	swait.ge [sflag:s29], $0x1  }
0xb6: {  	[sflag:s29] =	ssyncadd.s32 $0xFFFFFFFF  }
0xb7: {  	_ =	strace $0x90000048  }
0xb8: {  	_ =	sfence  }
0xb9: {  	s30 =	sld [smem:$0x0];
	_ =	sdelay $0x2  }
0xba: {  	s31 =	sshll.u32 s1, $0xD;
	s1 =	sshrl.u32 s1, $0x2  }
0xbb: {  	s3 =	sand.u32 $0x4000, s31;
	s1 =	sadd.s32 s1, s30  }
0xbc: {  	s0 =	sor.u32 s3, s0;
	s1 =	sshll.u32 s1, $0x11  }
0xbd: {  	s0 =	sor.u32 s1, s0  }
0xbe: {  	s0 =	sadd.s32 $0x8F2B, s0  }
0xbf: {  	[sflag:s0] =	ssyncadd.remote.s32 $0x1  }
0xc0: {  	_ =	sfence.sel $0xFFFF  }
0xc1: {  	[dreg:$0x0] =	wrdreg $0xFFFFFFFF;
	(pc) =	sbr.abs _section_cstart, $3  }
0xc2: {  	[dreg:$0x1] =	wrdreg $0xFFFFFFFF  }
0xc3: {  	_ =	task.clear_ibuf [dreg:s7], $0x2FFFF;
	_ =	strace $0x9FFFFFFF  }
0xc4: {  	(tm) =	ssettm $0x7FFFFFFF  }
0xc5: {  	_ =	shalt  }
tec
execute0_lowered:
.L_overlay_start_1:
0x0: {  	(tag) =	ssettag $0x1  }
0x1: {  	s9 =	rddreg [dreg:$0x0]  }
0x2: {  	s0 =	rddreg [dreg:$0x1]  }
0x3: {  	s2 =	rddreg [dreg:$0x2]  }
0x4: {  	s3 =	rddreg [dreg:$0x3]  }
0x5: {  	s4 =	simm.s32 $0x0;
	s1 =	srdreg.scid;
	s7 =	stileid.u32  }
0x6: {  	s20 =	simm.s32 $0x1DF00;
	s29 =	simm.s32 $0x1EEA0;
	[smem:$0x7FF] =	sst s4  }
0x7: {  	s30 =	simm.s32 $0x4;
	s5 =	sadd.s32 $0x200800, s0;
	s6 =	sadd.s32 $0x300800, s0  }
0x8: {  	s1 =	sand.u32 $0x1, s1;
	s12 =	sadd.s32 $0x400800, s0;
	s13 =	smul.u32 $0x186A0, s7  }
0x9: {  	s10 =	sshll.u32 s7, $0x10;
	s25 =	smul.u32 $0x61A80, s7;
	p0 =	sne.s32 s7, $0x0  }
0xa: {  	_ =	strace $0x80000047;
	s8 =	ssub.s32 $0x2, s1;
	s23 =	sadd.s32 s5, s10  }
0xb: {  	s22 =	smul.u32 $0xA, s1;
	s24 =	sadd.s32 s6, s10;
	[dreg:$0x7] =	wrdreg s23  }
0xc: {  	s1 =	smul.u32 $0xF42400, s1;
	s15 =	smov.u32 s12;
	[dreg:$0x8] =	wrdreg s24  }
0xd: {  	s21 =	sshrl.u32 s8, $0x1;
	s11 =	sadd.s32 s13, s3;
	[dreg:$0x5] =	wrdreg s13  }
0xe: {  	s0 =	ssub.s32 s8, s21;
	[dreg:$0x6] =	wrdreg s22;
	s26 =	sadd.s32 $0x17700, s11  }
0xf: {  	s16 =	sadd.s32 $0xFA0, s11;
	s1 =	sadd.s32 s13, s1;
	s21 =	simm.s32 $0x6  }
0x10: {  	s22 =	simm.s32 $0x3;
	s0 =	smax.u32 s0, $0x1;
	[dreg:$0xa] =	wrdreg s26  }
0x11: {  	s28 =	sadd.s32 $0xFA0, s1;
	s1 =	sadd.s32 $0x1F40, s1;
	s26 =	simm.s32 $0x1D300  }
0x12: {  	[dreg:$0x9] =	wrdreg s0;
	s0 =	sshrl.u32 s25, $0x2;
	s8 =	sshrl.u32 s28, $0x3  }
0x13: {  	s1 =	sshrl.u32 s1, $0x3;
	s25 =	simm.s32 $0x1C700;
	s8 =	sadd.s32 s8, s9  }
0x14: {  	s0 =	sadd.s32 s3, s0;
	s31 =	sadd.s32 s1, s12;
	[dreg:$0xb] =	wrdreg s8  }
0x15: {  	v0 =	vlaneseq.u32;
	v1 =	vimm.s32 $0x0;
	v2 =	vimm.s32 $0xF;
	s1 =	simm.s32 $0x0;
	s18 =	sadd.s32 $0x1F40, s0;
	[dreg:$0xc] =	wrdreg s31  }
.LBB2_1:
0x16: {  	s0 =	simm.s32 $0x1C720;
	v3 =	vor.u32 s4, v0  }
0x17: {  	[dreg:$0xd] =	wrdreg s1;
	s1 =	simm.s32 $0x1D320;
	s7 =	simm.s32 $0x10;
	[tilespmem:s0+$0xFFFFFFE0] =	vst v3  }
0x18: {  	v3 =	vor.u32 s7, v0;
	[tilespmem:s1+$0xFFFFFFE0] =	vst v1  }
0x19: {  	s28 =	simm.s32 $0x20;
	[tilespmem:s0+$0xFFFFFFF0] =	vst v3  }
0x1a: {  	v3 =	vor.u32 s28, v0;
	[tilespmem:s1+$0xFFFFFFF0] =	vst v1  }
0x1b: {  	s31 =	simm.s32 $0x30;
	[tilespmem:s0+$0x0] =	vst v3  }
0x1c: {  	v3 =	vor.u32 s31, v0;
	[tilespmem:s1+$0x0] =	vst v1  }
0x1d: {  	s8 =	simm.s32 $0x40;
	s7 =	simm.s32 $0x0;
	[tilespmem:s0+$0x10] =	vst v3  }
.LBB2_2:
0x1e: {  	v3 =	vor.u32 s8, v0;
	[tilespmem:s1+$0x10] =	vst v1;
	s0 =	sadd.s32 $0x40, s0  }
0x1f: {  	s9 =	sadd.s32 $0x10, s8;
	s1 =	sadd.s32 $0x40, s1;
	s7 =	sadd.s32 $0x4, s7;
	[tilespmem:s0+$0xFFFFFFE0] =	vst v3  }
0x20: {  	v3 =	vor.u32 s9, v0;
	p1 =	slt.u32 s7, $0xBC;
	[tilespmem:s1+$0xFFFFFFE0] =	vst v1  }
.Ltmp0:
0x21: {  	s9 =	sadd.s32 $0x20, s8;
	[tilespmem:s0+$0xFFFFFFF0] =	vst v3;
	(pc) =	sbr.rel @p1 .LBB2_2-.Ltmp0, $4  }
0x22: {  	v3 =	vor.u32 s9, v0;
	[tilespmem:s1+$0xFFFFFFF0] =	vst v1  }
0x23: {  	s9 =	sadd.s32 $0x30, s8;
	[tilespmem:s0+$0x0] =	vst v3  }
0x24: {  	v3 =	vor.u32 s9, v0;
	[tilespmem:s1+$0x0] =	vst v1  }
0x25: {  	s8 =	sadd.s32 $0x40, s8;
	[tilespmem:s0+$0x10] =	vst v3  }
0x26: {  	[tilespmem:s1+$0x10] =	vst v1;
	s0 =	simm.s32 @!p0 $0x1D300  }
0x27: {  	[spmem:s2] =	stream.linear.scatter @!p0 [tilespmem:s0], [sflag:$0x6], $0x600, $0x38;
	[tilespmem:$0x1FE80] =	vst v63  }
0x28: {  	s0 =	simm.s32 @!p0 $0x6  }
0x29: {  	_ =	swait.ge @!p0 [sflag:s0], $0x600  }
0x2a: {  	[sflag:s0] =	ssyncset.done @!p0 $0x0  }
0x2b: {  	[sflag:s0] =	ssyncadd.s32 @!p0 $0xFFFFFA00  }
0x2c: {  	[bflag:$0x0] =	sbarrier.arrive $0xFFFF  }
0x2d: {  	s19 =	rddreg [dreg:$0xc]  }
0x2e: {  	s0 =	simm.s32 $0x0;
	s17 =	rddreg [dreg:$0xb]  }
.LBB2_4:
0x2f: {  	s1 =	rddreg [dreg:$0x6]  }
0x30: {  	s1 =	sadd.s32 s1, s0  }
0x31: {  	s1 =	smul.u32 $0x186A00, s1  }
0x32: {  	s7 =	rddreg [dreg:$0x5]  }
0x33: {  	s7 =	sadd.s32 s7, s1  }
0x34: {  	s13 =	rddreg [dreg:$0x0];
	s8 =	simm.s32 $0x1;
	s14 =	sshrl.u32 s7, $0x3  }
0x35: {  	s23 =	simm.s32 $0x0;
	s8 =	sand.u32 $0x1, s8;
	s7 =	sadd.s32 s13, s14  }
0x36: {  	[tilespmem:s20], [sflag:$0x3] =	stream.linear.gather [hbm4b:s7+s4], $0xFA0, $0x38;
	[tilespmem:$0x1FE80] =	vst v63  }
0x37: {  	s12 =	smul.u32 $0x3E80, s8;
	s7 =	sand.u32 $0x1, s23  }
0x38: {  	s9 =	smul.u32 $0x3E80, s7;
	s7 =	sadd.s32 $0x3, s7  }
0x39: {  	_ =	swait.ge [sflag:s7], $0xFA0  }
0x3a: {  	s24 =	sadd.s32 $0x3, s8;
	s12 =	sshrl.u32 s12, $0x2;
	[sflag:s7] =	ssyncset.done $0x0  }
0x3b: {  	s28 =	sadd.s32 $0x1DF00, s12;
	s9 =	sshrl.u32 s9, $0x2;
	[sflag:s7] =	ssyncadd.s32 $0xFFFFF060  }
0x3c: {  	[tilespmem:s28], [sflag:s24] =	stream.linear.gather [hbm4b:s17+s4], $0xFA0, $0x38;
	[tilespmem:$0x1FE80] =	vst v63  }
0x3d: {  	s8 =	sadd.s32 $0x1F4, s17;
	s12 =	simm.s32 $0x3;
	s31 =	sadd.s32 $0x1DF00, s9  }
0x3e: {  	[spmem:s11] =	stream.linear.scatter [tilespmem:s31], [sflag:$0x6], $0xFA0, $0x38;
	[tilespmem:$0x1FE80] =	vst v63  }
0x3f: {  	s9 =	simm.s32 $0x2;
	s7 =	smov.u32 s16;
	_ =	swait.ge [sflag:s21], $0xFA0  }
.LBB2_5:
0x40: {  	s23 =	sadd.s32 $0xFFFFFFFF, s9  }
0x41: {  	[sflag:s21] =	ssyncset.done $0x0;
	s24 =	smov.u32 s12;
	s28 =	sadd.s32 $0x1, s12  }
0x42: {  	s31 =	sand.u32 $0x1, s9;
	s23 =	sand.u32 $0x1, s23;
	[sflag:s21] =	ssyncadd.s32 $0xFFFFF060  }
0x43: {  	p1 =	sne.s32 s12, $0x18;
	s12 =	sadd.s32 $0x3, s23;
	s23 =	smul.u32 $0x3E80, s23  }
0x44: {  	s13 =	smul.u32 $0x3E80, s31;
	s9 =	smov.u32 s24;
	_ =	swait.ge [sflag:s12], $0xFA0  }
0x45: {  	s23 =	sshrl.u32 s23, $0x2;
	[sflag:s12] =	ssyncset.done $0x0  }
0x46: {  	[sflag:s12] =	ssyncadd.s32 $0xFFFFF060;
	s12 =	sshrl.u32 s13, $0x2;
	s13 =	sadd.s32 $0x3, s31  }
.Ltmp1:
0x47: {  	s23 =	sadd.s32 $0x1DF00, s23;
	s12 =	sadd.s32 $0x1DF00, s12;
	(pc) =	sbr.rel @p1 .LBB2_5-.Ltmp1, $4  }
0x48: {  	[tilespmem:s12], [sflag:s13] =	stream.linear.gather [hbm4b:s8+s4], $0xFA0, $0x38;
	[tilespmem:$0x1FE80] =	vst v63  }
0x49: {  	s8 =	sadd.s32 $0x1F4, s8  }
0x4a: {  	[spmem:s7] =	stream.linear.scatter [tilespmem:s23], [sflag:$0x6], $0xFA0, $0x38;
	[tilespmem:$0x1FE80] =	vst v63  }
0x4b: {  	s12 =	smov.u32 s28;
	s7 =	sadd.s32 $0xFA0, s7;
	_ =	swait.ge [sflag:s21], $0xFA0  }
0x4c: {  	s12 =	sadd.s32 $0xFFFFFFFF, s9;
	s24 =	sand.u32 $0x1, s9  }
0x4d: {  	[sflag:s21] =	ssyncset.done $0x0;
	s12 =	sand.u32 $0x1, s12;
	s23 =	smul.u32 $0x3E80, s24  }
0x4e: {  	[sflag:s21] =	ssyncadd.s32 $0xFFFFF060;
	s13 =	smul.u32 $0x3E80, s12;
	s12 =	sadd.s32 $0x3, s12  }
0x4f: {  	_ =	swait.ge [sflag:s12], $0xFA0  }
0x50: {  	s9 =	sadd.s32 $0x3, s24;
	s23 =	sshrl.u32 s23, $0x2;
	[sflag:s12] =	ssyncset.done $0x0  }
0x51: {  	s13 =	sshrl.u32 s13, $0x2;
	s24 =	sadd.s32 $0x1DF00, s23;
	[sflag:s12] =	ssyncadd.s32 $0xFFFFF060  }
0x52: {  	[tilespmem:s24], [sflag:s9] =	stream.linear.gather [hbm4b:s8+s4], $0xFA0, $0x38;
	[tilespmem:$0x1FE80] =	vst v63  }
0x53: {  	s12 =	sadd.s32 $0x1DF00, s13  }
0x54: {  	[spmem:s7] =	stream.linear.scatter [tilespmem:s12], [sflag:$0x6], $0xFA0, $0x38;
	[tilespmem:$0x1FE80] =	vst v63  }
0x55: {  	_ =	swait.ge [sflag:s21], $0xFA0  }
0x56: {  	[sflag:s21] =	ssyncset.done $0x0  }
0x57: {  	[sflag:s21] =	ssyncadd.s32 $0xFFFFF060  }
0x58: {  	_ =	swait.ge [sflag:s22], $0xFA0  }
0x59: {  	[sflag:s22] =	ssyncset.done $0x0  }
0x5a: {  	s13 =	rddreg [dreg:$0xa];
	[sflag:s22] =	ssyncadd.s32 $0xFFFFF060  }
0x5b: {  	[spmem:s13] =	stream.linear.scatter [tilespmem:s20], [sflag:$0x6], $0xFA0, $0x38;
	[tilespmem:$0x1FE80] =	vst v63  }
0x5c: {  	_ =	swait.ge [sflag:s21], $0xFA0  }
0x5d: {  	v20 =	vimm.s32 $0xFFFFFFFF;
	v11 =	vimm.s32 $0xFFFFFFFF;
	p1 =	por $0x0, $0x0;
	s31 =	simm.s32 $0x0;
	[sflag:s21] =	ssyncset.done $0x0  }
0x5e: {  	v9 =	vimm.s32 $0xFFFFFFFF;
	v14 =	vimm.s32 $0xFFFFFFFF;
	v12 =	vimm.s32 $0xFFFFFFFF;
	s23 =	ssub.s32 $0x0, s1;
	s24 =	ssub.s32 $0x10, s1;
	[sflag:s21] =	ssyncadd.s32 $0xFFFFF060  }
0x5f: {  	v17 =	vimm.s32 $0xFFFFFFFF;
	v13 =	vimm.s32 $0xFFFFFFFF;
	v19 =	vimm.s32 $0xFFFFFFFF;
	s8 =	ssub.s32 $0x20, s1;
	s9 =	ssub.s32 $0x30, s1;
	[bflag:$0x0] =	sbarrier.arrive $0xFFFF  }
0x60: {  	v8 =	vimm.s32 $0xFFFFFFFF;
	v10 =	vimm.s32 $0xFFFFFFFF;
	v15 =	vimm.s32 $0xFFFFFFFF;
	s1 =	simm.s32 $0x0;
	s13 =	simm.s32 $0x18700;
	s12 =	rddreg [dreg:$0x7]  }
0x61: {  	v16 =	vimm.s32 $0xFFFFFFFF;
	v18 =	vimm.s32 $0xFFFFFFFF;
	v38 =	vimm.s32 $0xFFFFFFFF;
	[tilespmem:s13], [sflag:$0x1] =	stream.linear.gather [hbm4b:s12+s1], $0x1000, $0x38;
	[tilespmem:$0x1FE80] =	vst v63  }
0x62: {  	s28 =	simm.s32 $0x0;
	v33 =	vimm.s32 $0xFFFFFFFF;
	v3 =	vor.u32 s23, v0;
	v4 =	vor.u32 s24, v0;
	s24 =	simm.s32 $0x1A700;
	s23 =	rddreg [dreg:$0x8]  }
0x63: {  	v34 =	vimm.s32 $0xFFFFFFFF;
	v5 =	vor.u32 s8, v0;
	v6 =	vor.u32 s9, v0;
	[tilespmem:s24], [sflag:$0x1] =	stream.linear.gather [hbm4b:s23+s1], $0x1000, $0x38;
	[tilespmem:$0x1FE80] =	vst v63  }
.LBB2_8:
0x64: {  	s7 =	sshrl.u32 s31, $0x1F  }
0x65: {  	s7 =	sadd.s32 s7, s31  }
0x66: {  	s7 =	sand.u32 $0xFFFFFFFE, s7  }
0x67: {  	s8 =	ssub.s32 s31, s7  }
0x68: {  	s7 =	smul.u32 $0x600, s8;
	_ =	sdelay $0x1  }
0x69: {  	s9 =	sor.u32 $0x40, s7  }
0x6a: {  	p2 =	sge.s32 s28, s9  }
0x6b: {  	s9 =	ssub.s32 @p2 $0x1, s8;
	s8 =	ssub.s32 @!p2 $0x1, s8  }
0x6c: {  	s8 =	smov.u32 @p2 s9  }
0x6d: {  	s8 =	smul.u32 $0x600, s8;
	_ =	sdelay $0x1  }
0x6e: {  	v7 =	vmov s8  }
0x6f: {  	v7 =	vadd.s32 $0xFFFFFFFF, v7  }
0x70: {  	s13 =	sand.u32 $0x1, s1;
	v21 =	vbroadcast v7, $0x0  }
0x71: {  	s12 =	smov.u32 s1;
	s23 =	sadd.s32 $0x1, s13  }
0x72: {  	s1 =	sadd.s32 $0x1, s12;
	p3 =	seq.s32 s12, $0x7F;
	_ =	swait.ge [sflag:s23], $0x1000;
	v34 =	vpsel p2, v21, v34;
	v33 =	vpsel p2, v21, v33  }
0x73: {  	s12 =	sshll.u32 @!p3 s1, $0x9;
	[sflag:s23] =	ssyncset.done $0x0;
	vm0 =	vgt.s32 v34, v33  }
0x74: {  	s12 =	sadd.s32 @!p3 s10, s12;
	[sflag:s23] =	ssyncadd.s32 $0xFFFFF000;
	v38 =	vpsel p2, v21, v38;
	v7 =	vsel vm0, v34, v33  }
0x75: {  	s24 =	sadd.s32 @!p3 s5, s12;
	_ =	swait.ge [sflag:s23], $0x1000;
	s8 =	sand.u32 @!p3 $0x1, s1;
	vm0 =	vgt.s32 v7, v38  }
0x76: {  	[sflag:s23] =	ssyncset.done $0x0;
	s13 =	sadd.s32 @!p3 $0x1, s8;
	s8 =	sshll.u32 @!p3 s8, $0xC;
	v37 =	vpsel p2, v21, v18;
	v7 =	vsel vm0, v7, v38  }
0x77: {  	[sflag:s23] =	ssyncadd.s32 $0xFFFFF000;
	s28 =	simm.s32 @!p3 $0x0;
	s23 =	sor.u32 @!p3 $0x18700, s8;
	vm0 =	vgt.s32 v7, v37  }
0x78: {  	[tilespmem:s23], [sflag:s13] =	stream.linear.gather @!p3 [hbm4b:s24+s28], $0x1000, $0x38;
	v46 =	vpsel p2, v21, v16;
	v7 =	vsel vm0, v7, v37;
	[tilespmem:$0x1FE80] =	vst v63  }
0x79: {  	s12 =	sadd.s32 @!p3 s6, s12;
	s8 =	sor.u32 @!p3 $0x1A700, s8;
	vm0 =	vgt.s32 v7, v46  }
0x7a: {  	v18 =	vpsel p2, v21, v15;
	[tilespmem:s8], [sflag:s13] =	stream.linear.gather @!p3 [hbm4b:s12+s28], $0x1000, $0x38;
	v7 =	vsel vm0, v7, v46;
	[tilespmem:$0x1FE80] =	vst v63  }
0x7b: {  	s9 =	smul.u32 @p2 $0x1800, s9;
	p3 =	slt.s32 @p2 s31, $0x1;
	vm0 =	vgt.s32 v7, v18  }
0x7c: {  	v16 =	vpsel p2, v21, v10;
	p3 =	por p3, !p2;
	v7 =	vsel vm0, v7, v18  }
0x7d: {  	s9 =	sshra.s32 @p2 s9, $0x2;
	s8 =	simm.s32 $0x1;
	s12 =	simm.s32 @!p3 $0x5;
	vm0 =	vgt.s32 v7, v16  }
0x7e: {  	s9 =	sadd.s32 @p2 $0x1D300, s9;
	v15 =	vpsel p2, v21, v8;
	s8 =	simm.s32 @!p1 $0x0;
	_ =	swait.ge @!p3 [sflag:s12], $0x600;
	v7 =	vsel vm0, v7, v16  }
0x7f: {  	s23 =	simm.s32 @p2 $0x6;
	s8 =	sshll.u32 s8, $0xC;
	[sflag:s12] =	ssyncset.done @!p3 $0x0;
	vm0 =	vgt.s32 v7, v15  }
0x80: {  	v19 =	vpsel p2, v21, v19;
	s24 =	sor.u32 $0x1A780, s8;
	s8 =	sor.u32 $0x18780, s8;
	[sflag:s12] =	ssyncadd.s32 @!p3 $0xFFFFFA00;
	v7 =	vsel vm0, v7, v15  }
0x81: {  	v8 =	vmov s8;
	[tilespmem:s9], [sflag:$0x6] =	stream.linear.gather @p2 [spmem:s2], $0x600, $0x38;
	vm0 =	vgt.s32 v7, v19;
	[tilespmem:$0x1FE80] =	vst v63  }
0x82: {  	v13 =	vpsel p2, v21, v13;
	_ =	swait.ge @p2 [sflag:s23], $0x600;
	v7 =	vsel vm0, v7, v19  }
0x83: {  	s13 =	simm.s32 $0x0;
	s8 =	sadd.s32 @p2 $0x1D300, s7;
	[sflag:s23] =	ssyncset.done @p2 $0x0;
	vm0 =	vgt.s32 v7, v13  }
0x84: {  	v17 =	vpsel p2, v21, v17;
	s7 =	sadd.s32 @p2 $0x1C700, s7;
	s9 =	simm.s32 @p2 $0x600;
	[sflag:s23] =	ssyncadd.s32 @p2 $0xFFFFFA00;
	v7 =	vsel vm0, v7, v13  }
0x85: {  	[spmem:s3] =	stream.indirect.scatter @p2 [tilespmem:s8], [sflag:$0x5], $0x1, s7, s9, $0xb8;
	vm0 =	vgt.s32 v7, v17;
	[tilespmem:$0x1FE80] =	vst v63  }
0x86: {  	v12 =	vpsel p2, v21, v12;
	v27 =	vld.idx.msk [tilespmem:v8+s13+$0xFFFFFFB0 ss:$0x1], $0xffff;
	v22 =	vsel vm0, v7, v17  }
0x87: {  	v26 =	vld.idx.msk [tilespmem:v8+s13+$0x10 ss:$0x1], $0xffff;
	vm0 =	vgt.s32 v22, v12  }
0x88: {  	v53 =	vpsel p2, v21, v14;
	v28 =	vld.idx.msk [tilespmem:v8+s13+$0x40 ss:$0x1], $0xffff;
	v14 =	vsel vm0, v22, v12  }
0x89: {  	v30 =	vld.idx.msk [tilespmem:v8+s13+$0x20 ss:$0x1], $0xffff;
	vm0 =	vgt.s32 v14, v53  }
0x8a: {  	v9 =	vpsel p2, v21, v9;
	v10 =	vmov s24;
	v24 =	vld.idx.msk [tilespmem:v8+s13+$0xFFFFFFA0 ss:$0x1], $0xffff;
	v14 =	vsel vm0, v14, v53  }
0x8b: {  	v31 =	vld.idx.msk [tilespmem:v8+s13+$0x30 ss:$0x1], $0xffff;
	vm0 =	vgt.s32 v14, v9  }
0x8c: {  	v11 =	vpsel p2, v21, v11;
	v23 =	vpsel p2, v21, v20;
	v21 =	vld.idx.msk [tilespmem:v8+s13+$0xFFFFFF90 ss:$0x1], $0xffff;
	v14 =	vsel vm0, v14, v9  }
0x8d: {  	v22 =	vld.idx.msk [tilespmem:v8+s13+$0x0 ss:$0x1], $0xffff;
	vm0 =	vgt.s32 v14, v11  }
0x8e: {  	v32 =	vld.idx.msk [tilespmem:v8+s13+$0xFFFFFF80 ss:$0x1], $0xffff;
	v14 =	vsel vm0, v14, v11  }
0x8f: {  	v20 =	vld.idx.msk [tilespmem:v10+s13+$0x0 ss:$0x1], $0xffff;
	vm0 =	vgt.s32 v14, v23  }
0x90: {  	v25 =	vld.idx.msk [tilespmem:v10+s13+$0xFFFFFFF0 ss:$0x1], $0xffff;
	v14 =	vsel vm0, v14, v23  }
0x91: {  	v29 =	vld.idx.msk [tilespmem:v10+s13+$0xFFFFFFE0 ss:$0x1], $0xffff;
	v14 =	vxor.u32 $0x80000000, v14  }
0x92: {  	v39 =	vld.idx.msk [tilespmem:v8+s13+$0xFFFFFFC0 ss:$0x1], $0xffff;
	v36 =	vshll.u32 v24, $0x6;
	v35 =	vshll.u32 v31, $0x6;
	v22 =	vshll.u32 v22, $0x6;
	(xrf0) =	vmax.scan.msk.u32 $0xffff, v14  }
0x93: {  	v40 =	vld.idx.msk [tilespmem:v8+s13+$0x60 ss:$0x1], $0xffff;
	v21 =	vshll.u32 v21, $0x6;
	v32 =	vshll.u32 v32, $0x6;
	v24 =	vadd.s32 v3, v22  }
0x94: {  	v56 =	vld.idx.msk [tilespmem:v8+s13+$0x50 ss:$0x1], $0xffff;
	v26 =	vshll.u32 v26, $0x6;
	v22 =	vshll.u32 v30, $0x6;
	vm0 =	vlt.u32 v24, $0x186A00  }
0x95: {  	v42 =	vld.idx.msk [tilespmem:v8+s13+$0xFFFFFFD0 ss:$0x1], $0xffff;
	v30 =	vsel vm0, $0x1, v1;
	v14 =	vshll.u32 v28, $0x6;
	v28 =	vadd.s32 v4, v26  }
0x96: {  	v55 =	vld.idx.msk [tilespmem:v8+s13+$0xFFFFFFF0 ss:$0x1], $0xffff;
	v27 =	vshll.u32 v27, $0x6;
	v26 =	vadd.s32 v5, v22;
	vm2 =	vlt.u32 v28, $0x186A00  }
0x97: {  	v50 =	vld.idx.msk [tilespmem:v8+s13+$0xFFFFFFE0 ss:$0x1], $0xffff;
	v58 =	vadd.s32 v3, v32;
	(xrf0) =	vadd.scan.msk.s32 $0xffff, v30;
	vm1 =	vlt.u32 v26, $0x186A00;
	v22 =	vsel vm2, $0x1, v1  }
0x98: {  	v45 =	vld.idx.msk [tilespmem:v10+s13+$0xFFFFFFC0 ss:$0x1], $0xffff;
	v61 =	vadd.s32 v4, v21;
	vm11 =	vlt.u32 v58, $0x186A00;
	v43 =	vsel vm1, $0x1, v1;
	(xrf0) =	vadd.scan.msk.s32 $0xffff, v22;
	v30, _, _ =	vpop (xrf0)  }
0x99: {  	v52 =	vld.idx.msk [tilespmem:v10+s13+$0xFFFFFFB0 ss:$0x1], $0xffff;
	vm5 =	vlt.u32 v61, $0x186A00;
	(xrf0) =	vadd.scan.msk.s32 $0xffff, v43;
	(v2sf) =	vpush v30, $0xF;
	v30 =	vsel vm11, $0x1, v1  }
0x9a: {  	v31 =	vld.idx.msk [tilespmem:v10+s13+$0xFFFFFFD0 ss:$0x1], $0xffff;
	v39 =	vshll.u32 v39, $0x6;
	v44 =	vshll.u32 v56, $0x6;
	v57 =	vsel vm5, $0x1, v1;
	(xrf0) =	vadd.scan.msk.s32 $0xffff, v30  }
0x9b: {  	v42 =	vshll.u32 v42, $0x6;
	v56 =	vld.idx.msk [tilespmem:v10+s13+$0xFFFFFFA0 ss:$0x1], $0xffff;
	v55 =	vshll.u32 v55, $0x6;
	v41 =	vadd.s32 v6, v27;
	(xrf0) =	vadd.scan.msk.s32 $0xffff, v57  }
0x9c: {  	v27 =	vld.idx.msk [tilespmem:v10+s13+$0x40 ss:$0x1], $0xffff;
	v49 =	vadd.s32 v5, v36;
	v39 =	vadd.s32 v3, v39;
	v36 =	vshll.u32 v40, $0x6  }
0x9d: {  	v32 =	vld.idx.msk [tilespmem:v10+s13+$0x20 ss:$0x1], $0xffff;
	v48 =	vadd.s32 v4, v42;
	vm7 =	vlt.u32 v49, $0x186A00;
	vm4 =	vlt.u32 v39, $0x186A00;
	v60, _, _ =	vpop (xrf0)  }
0x9e: {  	vm8 =	vlt.u32 v41, $0x186A00;
	vm6 =	vlt.u32 v48, $0x186A00;
	v7 =	vld.idx.msk [tilespmem:v10+s13+$0x70 ss:$0x1], $0xffff;
	v59 =	vsel vm7, $0x1, v1;
	v63, _, _ =	vpop (xrf0)  }
0x9f: {  	v47 =	vsel vm4, $0x1, v1;
	v21 =	vadd.s32 v3, v14;
	v14 =	vld.idx.msk [tilespmem:v10+s13+$0x60 ss:$0x1], $0xffff;
	(xrf0) =	vadd.scan.msk.s32 $0xffff, v59;
	v43 =	vadd.s32 v13, v63;
	v13, _, _ =	vpop (xrf0)  }
0xa0: {  	v62 =	vsel vm8, $0x1, v1;
	vm3 =	vlt.u32 v21, $0x186A00;
	v22 =	vld.idx.msk [tilespmem:v10+s13+$0x50 ss:$0x1], $0xffff;
	(xrf0) =	vadd.scan.msk.s32 $0xffff, v47;
	v40 =	vadd.s32 v17, v13;
	v17, _, _ =	vpop (xrf0)  }
0xa1: {  	v42 =	vsel vm6, $0x1, v1;
	v51 =	vsel vm3, $0x1, v1;
	v30 =	vld.idx.msk [tilespmem:v10+s13+$0x30 ss:$0x1], $0xffff;
	(xrf0) =	vadd.scan.msk.s32 $0xffff, v62;
	v62 =	vadd.s32 v34, v17;
	v54, _, _ =	vpop (xrf0)  }
0xa2: {  	v47 =	vadd.s32 v19, v60;
	v60 =	vld.idx.msk [tilespmem:v10+s13+$0xFFFFFF80 ss:$0x1], $0xffff;
	(xrf0) =	vadd.scan.msk.s32 $0xffff, v51;
	v51 =	vshll.u32 v50, $0x6;
	v63 =	vadd.s32 v33, v54  }
0xa3: {  	v57 =	vld.idx.msk [tilespmem:v10+s13+$0xFFFFFF90 ss:$0x1], $0xffff;
	v13 =	vperm.xlane v43, v2;
	v19 =	vperm.xlane v47, v2;
	v50 =	vadd.s32 v5, v51  }
0xa4: {  	(xrf0) =	vadd.scan.msk.s32 $0xffff, v42;
	v42 =	vld.idx.msk [tilespmem:v10+s13+$0x10 ss:$0x1], $0xffff;
	v51 =	vadd.s32 v6, v55;
	vm9 =	vlt.u32 v50, $0x186A00;
	v59 =	vadd.s32 $0x60, v63  }
0xa5: {  	v17 =	vperm.xlane v40, v2;
	v54 =	vld.idx.msk [tilespmem:v8+s13+$0x70 ss:$0x1], $0xffff;
	v0 =	vsel vm9, $0x1, v1;
	v33 =	vperm.xlane v63, v2;
	v63, _, _ =	vpop (xrf0)  }
0xa6: {  	vm10 =	vlt.u32 v51, $0x186A00;
	v34 =	vperm.xlane v62, v2;
	v38 =	vadd.s32 v38, v63;
	v63, _, _ =	vpop (xrf0);
	[tilespmem:v62+s25+$0x0] =	vst.idx.msk vm11, v58  }
0xa7: {  	s7 =	simm.s32 $0x1;
	(xrf0) =	vadd.scan.msk.s32 $0xffff, v0;
	v55 =	vadd.s32 v46, v63;
	v63, _, _ =	vpop (xrf0);
	[tilespmem:v62+s26+$0x0] =	vst.idx.msk vm11, v60;
	v60 =	vadd.s32 $0xC0, v38  }
0xa8: {  	s7 =	simm.s32 @!p2 $0x0;
	v38 =	vperm.xlane v38, v2;
	v46 =	vadd.s32 v37, v63;
	v0, _, _ =	vpop (xrf0);
	v63 =	vsel vm10, $0x1, v1;
	s24 =	spop (v2sf)  }
0xa9: {  	s23 =	simm.s32 $0x400;
	s31 =	sadd.s32 s7, s31;
	[tilespmem:v59+s25+$0x0] =	vst.idx.msk vm5, v61;
	v58 =	vadd.s32 $0x120, v46;
	s28 =	sxor.u32 $0x80000000, s24;
	v37 =	vadd.s32 v53, v0;
	(xrf0) =	vadd.scan.msk.s32 $0xffff, v63  }
.LBB2_9:
0xaa: {  	v0 =	vshll.u32 v54, $0x6;
	v54 =	vperm.xlane v46, v2;
	v46 =	vperm.xlane v55, v2;
	[tilespmem:v59+s26+$0x0] =	vst.idx.msk vm5, v57;
	v57, _, _ =	vpop (xrf0);
	s24 =	smov.u32 s23;
	s23 =	sadd.s32 $0x400, s23  }
0xab: {  	p2 =	seq.s32 s23, $0x4000;
	v53 =	vadd.s32 v6, v0;
	v61 =	vadd.s32 v18, v57  }
0xac: {  	v55 =	vadd.s32 $0x180, v55;
	vm5 =	vlt.u32 v53, $0x186A00;
	v57 =	vadd.s32 $0x1E0, v61  }
0xad: {  	s7 =	sshrl.u32 s31, $0x1F;
	v18 =	vperm.xlane v61, v2;
	v59 =	vsel vm5, $0x1, v1;
	[tilespmem:v60+s25+$0x0] =	vst.idx.msk vm7, v49;
	v0, _, _ =	vpop (xrf0)  }
0xae: {  	s7 =	sadd.s32 s7, s31;
	v0 =	vadd.s32 v16, v0;
	[tilespmem:v60+s26+$0x0] =	vst.idx.msk vm7, v56;
	(xrf0) =	vadd.scan.msk.s32 $0xffff, v59  }
0xaf: {  	s7 =	sand.u32 $0xFFFFFFFE, s7;
	v16 =	vadd.s32 v6, v35;
	v35 =	vperm.xlane v0, v2;
	[tilespmem:v58+s25+$0x0] =	vst.idx.msk vm8, v41;
	v0 =	vadd.s32 $0x240, v0;
	v41, _, _ =	vpop (xrf0)  }
0xb0: {  	s7 =	ssub.s32 s31, s7;
	vm7 =	vlt.u32 v16, $0x186A00;
	v15 =	vadd.s32 v15, v41;
	[tilespmem:v58+s26+$0x0] =	vst.idx.msk vm8, v52  }
0xb1: {  	s8 =	smul.u32 $0x600, s7;
	v41 =	vsel vm7, $0x1, v1;
	v49 =	vperm.xlane v15, v2;
	[tilespmem:v55+s25+$0x0] =	vst.idx.msk vm4, v39;
	v15 =	vadd.s32 $0x2A0, v15  }
0xb2: {  	v39 =	vadd.s32 v4, v44;
	[tilespmem:v55+s26+$0x0] =	vst.idx.msk vm4, v45;
	(xrf0) =	vadd.scan.msk.s32 $0xffff, v41  }
0xb3: {  	s9 =	sor.u32 $0x40, s8;
	vm4 =	vlt.u32 v39, $0x186A00;
	[tilespmem:v57+s25+$0x0] =	vst.idx.msk vm6, v48  }
0xb4: {  	v36 =	vadd.s32 v5, v36;
	p3 =	sge.s32 s28, s9;
	v41 =	vsel vm4, $0x1, v1;
	[tilespmem:v57+s26+$0x0] =	vst.idx.msk vm6, v31;
	v31 =	vadd.s32 $0x300, v47;
	v44, _, _ =	vpop (xrf0)  }
0xb5: {  	p4 =	slt.s32 @p3 s31, $0x1;
	s9 =	ssub.s32 @p3 $0x1, s7;
	vm6 =	vlt.u32 v36, $0x186A00;
	v44 =	vadd.s32 v23, v44;
	[tilespmem:v0+s25+$0x0] =	vst.idx.msk vm9, v50;
	(xrf0) =	vadd.scan.msk.s32 $0xffff, v41  }
0xb6: {  	s7 =	ssub.s32 @!p3 $0x1, s7;
	s28 =	sadd.s32 @p3 $0x1D300, s8;
	p4 =	por p4, !p3;
	v41 =	vsel vm6, $0x1, v1;
	v23 =	vperm.xlane v44, v2;
	[tilespmem:v0+s26+$0x0] =	vst.idx.msk vm9, v29;
	v0 =	vadd.s32 $0x360, v43  }
0xb7: {  	s12 =	smul.u32 @p3 $0x1800, s9;
	s7 =	smov.u32 @p3 s9;
	s9 =	simm.s32 @!p4 $0x5;
	[tilespmem:v15+s25+$0x0] =	vst.idx.msk vm10, v51;
	(xrf0) =	vadd.scan.msk.s32 $0xffff, v41  }
0xb8: {  	s13 =	smul.u32 $0x600, s7;
	s7 =	sadd.s32 @p3 $0x1C700, s8;
	s8 =	simm.s32 $0x1;
	[tilespmem:v15+s26+$0x0] =	vst.idx.msk vm10, v25;
	v15 =	vadd.s32 $0x3C0, v40;
	v25, _, _ =	vpop (xrf0)  }
0xb9: {  	s12 =	sshra.s32 @p3 s12, $0x2;
	s8 =	simm.s32 @!p3 $0x0;
	v12 =	vadd.s32 v12, v25;
	[tilespmem:v31+s25+$0x0] =	vst.idx.msk vm0, v24  }
0xba: {  	s12 =	sadd.s32 @p3 $0x1D300, s12;
	v29 =	vmov s13;
	s31 =	sadd.s32 s8, s31;
	v25 =	vperm.xlane v12, v2;
	[tilespmem:v31+s26+$0x0] =	vst.idx.msk vm0, v20;
	v12 =	vadd.s32 $0x420, v12  }
0xbb: {  	s8 =	simm.s32 @p3 $0x6;
	v20 =	vadd.s32 $0xFFFFFFFF, v29;
	[tilespmem:v0+s25+$0x0] =	vst.idx.msk vm2, v28;
	v24, _, _ =	vpop (xrf0)  }
0xbc: {  	v20 =	vbroadcast v20, $0x0;
	v28 =	vadd.s32 v9, v24;
	[tilespmem:v0+s26+$0x0] =	vst.idx.msk vm2, v42;
	v0 =	vadd.s32 $0x480, v37  }
0xbd: {  	v24 =	vperm.xlane v28, v2;
	[tilespmem:v15+s25+$0x0] =	vst.idx.msk vm1, v26;
	v26 =	vadd.s32 $0x4E0, v28;
	v9, _, _ =	vpop (xrf0)  }
0xbe: {  	v34 =	vpsel p3, v20, v34;
	v33 =	vpsel p3, v20, v33;
	[tilespmem:v15+s26+$0x0] =	vst.idx.msk vm1, v32  }
0xbf: {  	vm0 =	vgt.s32 v34, v33;
	v9 =	vadd.s32 v11, v9;
	[tilespmem:v12+s25+$0x0] =	vst.idx.msk vm7, v16  }
0xc0: {  	v42 =	vpsel p3, v20, v38;
	v11 =	vsel vm0, v34, v33;
	[tilespmem:v12+s26+$0x0] =	vst.idx.msk vm7, v30;
	v12 =	vadd.s32 $0x540, v9  }
0xc1: {  	v28 =	vperm.xlane v9, v2;
	vm0 =	vgt.s32 v11, v42;
	[tilespmem:v0+s25+$0x0] =	vst.idx.msk vm3, v21  }
0xc2: {  	v38 =	vpsel p3, v20, v54;
	v11 =	vsel vm0, v11, v42;
	[tilespmem:v0+s26+$0x0] =	vst.idx.msk vm3, v27;
	v0 =	vadd.s32 $0x5A0, v44  }
0xc3: {  	v9 =	vpsel p3, v20, v24;
	vm0 =	vgt.s32 v11, v38;
	[tilespmem:v26+s25+$0x0] =	vst.idx.msk vm4, v39  }
0xc4: {  	v46 =	vpsel p3, v20, v46;
	v11 =	vsel vm0, v11, v38;
	[tilespmem:v26+s26+$0x0] =	vst.idx.msk vm4, v22  }
0xc5: {  	v19 =	vpsel p3, v20, v19;
	vm0 =	vgt.s32 v11, v46;
	[tilespmem:v12+s25+$0x0] =	vst.idx.msk vm6, v36  }
0xc6: {  	v18 =	vpsel p3, v20, v18;
	v11 =	vsel vm0, v11, v46;
	[tilespmem:v12+s26+$0x0] =	vst.idx.msk vm6, v14  }
0xc7: {  	v16 =	vpsel p3, v20, v35;
	vm0 =	vgt.s32 v11, v18;
	[tilespmem:v0+s25+$0x0] =	vst.idx.msk vm5, v53  }
0xc8: {  	v14 =	vperm.xlane v37, v2;
	v11 =	vsel vm0, v11, v18;
	[tilespmem:v0+s26+$0x0] =	vst.idx.msk vm5, v7  }
0xc9: {  	vm0 =	vgt.s32 v11, v16;
	_ =	swait.ge @!p4 [sflag:s9], $0x600  }
0xca: {  	v15 =	vpsel p3, v20, v49;
	v0 =	vsel vm0, v11, v16;
	[sflag:s9] =	ssyncset.done @!p4 $0x0  }
0xcb: {  	v17 =	vpsel p3, v20, v17;
	vm0 =	vgt.s32 v0, v15;
	[sflag:s9] =	ssyncadd.s32 @!p4 $0xFFFFFA00  }
0xcc: {  	v0 =	vsel vm0, v0, v15;
	[tilespmem:s12], [sflag:$0x6] =	stream.linear.gather @p3 [spmem:s2], $0x600, $0x38;
	[tilespmem:$0x1FE80] =	vst v63  }
0xcd: {  	vm0 =	vgt.s32 v0, v19;
	_ =	swait.ge @p3 [sflag:s8], $0x600  }
0xce: {  	v13 =	vpsel p3, v20, v13;
	s9 =	simm.s32 @p3 $0x600;
	v0 =	vsel vm0, v0, v19;
	[sflag:s8] =	ssyncset.done @p3 $0x0  }
0xcf: {  	s24 =	sshra.s32 s24, $0x2;
	vm0 =	vgt.s32 v0, v13;
	[sflag:s8] =	ssyncadd.s32 @p3 $0xFFFFFA00  }
0xd0: {  	v0 =	vsel vm0, v0, v13;
	[spmem:s3] =	stream.indirect.scatter @p3 [tilespmem:s28], [sflag:$0x5], $0x1, s7, s9, $0xb8;
	[tilespmem:$0x1FE80] =	vst v63  }
0xd1: {  	vm0 =	vgt.s32 v0, v17;
	v27 =	vld.idx.msk [tilespmem:v8+s24+$0xFFFFFFB0 ss:$0x1], $0xffff  }
0xd2: {  	v12 =	vpsel p3, v20, v25;
	v0 =	vsel vm0, v0, v17;
	v7 =	vld.idx.msk [tilespmem:v10+s24+$0x70 ss:$0x1], $0xffff  }
0xd3: {  	vm0 =	vgt.s32 v0, v12;
	v21 =	vld.idx.msk [tilespmem:v8+s24+$0x0 ss:$0x1], $0xffff  }
0xd4: {  	v37 =	vpsel p3, v20, v14;
	v0 =	vsel vm0, v0, v12;
	v14 =	vld.idx.msk [tilespmem:v8+s24+$0x10 ss:$0x1], $0xffff  }
0xd5: {  	vm0 =	vgt.s32 v0, v37;
	v22 =	vld.idx.msk [tilespmem:v8+s24+$0x40 ss:$0x1], $0xffff  }
0xd6: {  	v0 =	vsel vm0, v0, v37;
	v26 =	vld.idx.msk [tilespmem:v8+s24+$0x20 ss:$0x1], $0xffff  }
0xd7: {  	vm0 =	vgt.s32 v0, v9;
	v24 =	vld.idx.msk [tilespmem:v8+s24+$0xFFFFFFA0 ss:$0x1], $0xffff  }
0xd8: {  	v11 =	vpsel p3, v20, v28;
	v0 =	vsel vm0, v0, v9;
	v28 =	vld.idx.msk [tilespmem:v8+s24+$0x30 ss:$0x1], $0xffff  }
0xd9: {  	vm0 =	vgt.s32 v0, v11;
	v30 =	vld.idx.msk [tilespmem:v8+s24+$0xFFFFFF90 ss:$0x1], $0xffff  }
0xda: {  	v23 =	vpsel p3, v20, v23;
	v0 =	vsel vm0, v0, v11;
	v32 =	vld.idx.msk [tilespmem:v8+s24+$0xFFFFFF80 ss:$0x1], $0xffff  }
0xdb: {  	vm0 =	vgt.s32 v0, v23;
	v20 =	vld.idx.msk [tilespmem:v10+s24+$0x0 ss:$0x1], $0xffff  }
0xdc: {  	v21 =	vshll.u32 v21, $0x6;
	v0 =	vsel vm0, v0, v23;
	v25 =	vld.idx.msk [tilespmem:v10+s24+$0xFFFFFFF0 ss:$0x1], $0xffff  }
0xdd: {  	v0 =	vxor.u32 $0x80000000, v0;
	v39 =	vshll.u32 v24, $0x6;
	v24 =	vadd.s32 v3, v21;
	v29 =	vld.idx.msk [tilespmem:v10+s24+$0xFFFFFFE0 ss:$0x1], $0xffff  }
0xde: {  	v26 =	vshll.u32 v26, $0x6;
	v35 =	vshll.u32 v28, $0x6;
	vm0 =	vlt.u32 v24, $0x186A00;
	v31 =	vld.idx.msk [tilespmem:v10+s24+$0xFFFFFFD0 ss:$0x1], $0xffff;
	(xrf0) =	vmax.scan.msk.u32 $0xffff, v0  }
0xdf: {  	v21 =	vshll.u32 v22, $0x6;
	v22 =	vsel vm0, $0x1, v1;
	v0 =	vld.idx.msk [tilespmem:v8+s24+$0x60 ss:$0x1], $0xffff  }
0xe0: {  	v28 =	vshll.u32 v30, $0x6;
	v30 =	vshll.u32 v14, $0x6;
	v32 =	vshll.u32 v32, $0x6;
	v36 =	vld.idx.msk [tilespmem:v8+s24+$0xFFFFFFC0 ss:$0x1], $0xffff;
	(xrf0) =	vadd.scan.msk.s32 $0xffff, v22  }
0xe1: {  	v21 =	vadd.s32 v3, v21;
	v53 =	vadd.s32 v4, v28;
	v28 =	vadd.s32 v4, v30;
	v14 =	vld.idx.msk [tilespmem:v10+s24+$0x60 ss:$0x1], $0xffff  }
0xe2: {  	v26 =	vadd.s32 v5, v26;
	v58 =	vadd.s32 v3, v32;
	vm2 =	vlt.u32 v28, $0x186A00;
	v40 =	vld.idx.msk [tilespmem:v8+s24+$0x50 ss:$0x1], $0xffff  }
0xe3: {  	v30 =	vshll.u32 v27, $0x6;
	vm11 =	vlt.u32 v58, $0x186A00;
	v32 =	vsel vm2, $0x1, v1;
	v22 =	vld.idx.msk [tilespmem:v10+s24+$0x50 ss:$0x1], $0xffff  }
0xe4: {  	vm1 =	vlt.u32 v26, $0x186A00;
	vm5 =	vlt.u32 v53, $0x186A00;
	v44 =	vsel vm11, $0x1, v1;
	v43 =	vld.idx.msk [tilespmem:v8+s24+$0xFFFFFFD0 ss:$0x1], $0xffff;
	v41, _, _ =	vpop (xrf0)  }
0xe5: {  	v45 =	vsel vm1, $0x1, v1;
	v27 =	vld.idx.msk [tilespmem:v10+s24+$0x40 ss:$0x1], $0xffff;
	(v2sf) =	vpush v41, $0xF;
	(xrf0) =	vadd.scan.msk.s32 $0xffff, v32  }
0xe6: {  	v41 =	vadd.s32 v6, v30;
	v32 =	vshll.u32 v36, $0x6;
	v36 =	vshll.u32 v0, $0x6;
	v50 =	vld.idx.msk [tilespmem:v8+s24+$0xFFFFFFE0 ss:$0x1], $0xffff;
	v0, _, _ =	vpop (xrf0);
	(xrf0) =	vadd.scan.msk.s32 $0xffff, v45  }
0xe7: {  	v49 =	vadd.s32 v5, v39;
	v39 =	vadd.s32 v3, v32;
	v45 =	vsel vm5, $0x1, v1;
	v30 =	vld.idx.msk [tilespmem:v10+s24+$0x30 ss:$0x1], $0xffff;
	(xrf0) =	vadd.scan.msk.s32 $0xffff, v44  }
0xe8: {  	vm7 =	vlt.u32 v49, $0x186A00;
	vm3 =	vlt.u32 v21, $0x186A00;
	vm4 =	vlt.u32 v39, $0x186A00;
	v32 =	vld.idx.msk [tilespmem:v10+s24+$0x20 ss:$0x1], $0xffff;
	(xrf0) =	vadd.scan.msk.s32 $0xffff, v45  }
0xe9: {  	v51 =	vsel vm3, $0x1, v1;
	v44 =	vshll.u32 v40, $0x6;
	v40 =	vsel vm7, $0x1, v1;
	v45 =	vld.idx.msk [tilespmem:v10+s24+$0xFFFFFFC0 ss:$0x1], $0xffff  }
0xea: {  	vm8 =	vlt.u32 v41, $0x186A00;
	v52 =	vsel vm4, $0x1, v1;
	v43 =	vshll.u32 v43, $0x6;
	v60 =	vld.idx.msk [tilespmem:v10+s24+$0xFFFFFF80 ss:$0x1], $0xffff;
	(xrf0) =	vadd.scan.msk.s32 $0xffff, v40  }
0xeb: {  	v47 =	vadd.s32 v19, v0;
	v48 =	vadd.s32 v4, v43;
	v40 =	vsel vm8, $0x1, v1;
	v55 =	vld.idx.msk [tilespmem:v8+s24+$0xFFFFFFF0 ss:$0x1], $0xffff;
	(xrf0) =	vadd.scan.msk.s32 $0xffff, v52;
	v0, _, _ =	vpop (xrf0)  }
0xec: {  	v19 =	vperm.xlane v47, v2;
	vm6 =	vlt.u32 v48, $0x186A00;
	v52 =	vld.idx.msk [tilespmem:v10+s24+$0xFFFFFFB0 ss:$0x1], $0xffff;
	v43 =	vadd.s32 v13, v0;
	(xrf0) =	vadd.scan.msk.s32 $0xffff, v40;
	v0, _, _ =	vpop (xrf0)  }
0xed: {  	v57 =	vld.idx.msk [tilespmem:v10+s24+$0xFFFFFF90 ss:$0x1], $0xffff;
	v40 =	vadd.s32 v17, v0;
	v13 =	vperm.xlane v43, v2;
	v0, _, _ =	vpop (xrf0);
	(xrf0) =	vadd.scan.msk.s32 $0xffff, v51  }
0xee: {  	v50 =	vshll.u32 v50, $0x6;
	v56 =	vld.idx.msk [tilespmem:v10+s24+$0xFFFFFFA0 ss:$0x1], $0xffff;
	v0 =	vadd.s32 v34, v0;
	v17 =	vperm.xlane v40, v2;
	v34, _, _ =	vpop (xrf0)  }
0xef: {  	v50 =	vadd.s32 v5, v50;
	v51 =	vsel vm6, $0x1, v1;
	v54 =	vld.idx.msk [tilespmem:v8+s24+$0x70 ss:$0x1], $0xffff;
	v59 =	vadd.s32 v33, v34  }
0xf0: {  	v34 =	vperm.xlane v0, v2;
	v33 =	vperm.xlane v59, v2;
	v59 =	vadd.s32 $0x60, v59;
	v61, _, _ =	vpop (xrf0);
	(xrf0) =	vadd.scan.msk.s32 $0xffff, v51  }
.Ltmp2:
0xf1: {  	vm9 =	vlt.u32 v50, $0x186A00;
	v51 =	vshll.u32 v55, $0x6;
	v61 =	vadd.s32 v42, v61;
	v55, _, _ =	vpop (xrf0);
	(pc) =	sbr.rel @!p2 .LBB2_9-.Ltmp2, $4  }
0xf2: {  	v62 =	vsel vm9, $0x1, v1;
	v51 =	vadd.s32 v6, v51;
	v42 =	vld.idx.msk [tilespmem:v10+s24+$0x10 ss:$0x1], $0xffff;
	v55 =	vadd.s32 v46, v55;
	v46, _, _ =	vpop (xrf0)  }
0xf3: {  	vm10 =	vlt.u32 v51, $0x186A00;
	v46 =	vadd.s32 v38, v46;
	[tilespmem:v0+s25+$0x0] =	vst.idx.msk vm11, v58;
	(xrf0) =	vadd.scan.msk.s32 $0xffff, v62;
	v38, _, _ =	vpop (xrf0)  }
0xf4: {  	v62 =	vsel vm10, $0x1, v1;
	[tilespmem:v0+s26+$0x0] =	vst.idx.msk vm11, v60;
	v60 =	vadd.s32 $0xC0, v61;
	v58 =	vadd.s32 $0x120, v46;
	s7 =	spop (v2sf)  }
0xf5: {  	v37 =	vadd.s32 v37, v38;
	v38 =	vperm.xlane v61, v2;
	s28 =	sxor.u32 $0x80000000, s7;
	[tilespmem:v59+s25+$0x0] =	vst.idx.msk vm5, v53;
	(xrf0) =	vadd.scan.msk.s32 $0xffff, v62  }
0xf6: {  	_ =	sdelay $0x4  }
0xf7: {  	[tilespmem:v59+s26+$0x0] =	vst.idx.msk vm5, v57;
	v0, _, _ =	vpop (xrf0);
	v8 =	vadd.s32 $0x180, v55  }
0xf8: {  	v10 =	vshll.u32 v54, $0x6;
	v0 =	vadd.s32 v18, v0;
	[tilespmem:v60+s25+$0x0] =	vst.idx.msk vm7, v49  }
0xf9: {  	v49 =	vadd.s32 v6, v10;
	v10 =	vadd.s32 $0x1E0, v0;
	[tilespmem:v60+s26+$0x0] =	vst.idx.msk vm7, v56;
	v18, _, _ =	vpop (xrf0)  }
0xfa: {  	vm12 =	vlt.u32 v49, $0x186A00;
	[tilespmem:v58+s25+$0x0] =	vst.idx.msk vm8, v41;
	v53 =	vadd.s32 v16, v18;
	v16 =	vadd.s32 v6, v35  }
0xfb: {  	v18 =	vsel vm12, $0x1, v1;
	[tilespmem:v58+s26+$0x0] =	vst.idx.msk vm8, v52;
	v56 =	vadd.s32 $0x240, v53;
	v57, _, _ =	vpop (xrf0);
	vm13 =	vlt.u32 v16, $0x186A00  }
0xfc: {  	(xrf0) =	vadd.scan.msk.s32 $0xffff, v18;
	[tilespmem:v8+s25+$0x0] =	vst.idx.msk vm4, v39;
	v41 =	vadd.s32 v15, v57;
	v15 =	vsel vm13, $0x1, v1  }
0xfd: {  	[tilespmem:v8+s26+$0x0] =	vst.idx.msk vm4, v45;
	v18 =	vadd.s32 $0x2A0, v41;
	(xrf0) =	vadd.scan.msk.s32 $0xffff, v15  }
0xfe: {  	v8 =	vadd.s32 v4, v44;
	[tilespmem:v10+s25+$0x0] =	vst.idx.msk vm6, v48  }
0xff: {  	vm14 =	vlt.u32 v8, $0x186A00;
	[tilespmem:v10+s26+$0x0] =	vst.idx.msk vm6, v31;
	v10 =	vadd.s32 $0x300, v47  }
0x100: {  	v59 =	vadd.s32 v5, v36;
	v15 =	vsel vm14, $0x1, v1;
	[tilespmem:v56+s25+$0x0] =	vst.idx.msk vm9, v50  }
0x101: {  	vm15 =	vlt.u32 v59, $0x186A00;
	(xrf0) =	vadd.scan.msk.s32 $0xffff, v15;
	v15 =	vadd.s32 $0x360, v43;
	[tilespmem:v56+s26+$0x0] =	vst.idx.msk vm9, v29  }
0x102: {  	v61 =	vsel vm15, $0x1, v1;
	v60, _, _ =	vpop (xrf0);
	[tilespmem:v18+s25+$0x0] =	vst.idx.msk vm10, v51  }
0x103: {  	(xrf0) =	vadd.scan.msk.s32 $0xffff, v61;
	[tilespmem:v18+s26+$0x0] =	vst.idx.msk vm10, v25;
	v18 =	vadd.s32 $0x3C0, v40;
	v62, _, _ =	vpop (xrf0)  }
0x104: {  	v12 =	vadd.s32 v12, v62;
	[tilespmem:v10+s25+$0x0] =	vst.idx.msk vm0, v24  }
0x105: {  	[tilespmem:v10+s26+$0x0] =	vst.idx.msk vm0, v20;
	v10 =	vadd.s32 $0x420, v12  }
0x106: {  	[tilespmem:v15+s25+$0x0] =	vst.idx.msk vm2, v28  }
0x107: {  	v20, _, _ =	vpop (xrf0);
	[tilespmem:v15+s26+$0x0] =	vst.idx.msk vm2, v42;
	v15 =	vadd.s32 $0x480, v37  }
0x108: {  	v9 =	vadd.s32 v9, v20;
	[tilespmem:v18+s25+$0x0] =	vst.idx.msk vm1, v26  }
0x109: {  	v20 =	vadd.s32 $0x4E0, v9;
	v63, _, _ =	vpop (xrf0);
	[tilespmem:v18+s26+$0x0] =	vst.idx.msk vm1, v32  }
0x10a: {  	v11 =	vadd.s32 v11, v63;
	[tilespmem:v10+s25+$0x0] =	vst.idx.msk vm13, v16  }
0x10b: {  	v24 =	vadd.s32 $0x540, v11;
	[tilespmem:v10+s26+$0x0] =	vst.idx.msk vm13, v30  }
0x10c: {  	v23 =	vadd.s32 v23, v60;
	[tilespmem:v15+s25+$0x0] =	vst.idx.msk vm3, v21  }
0x10d: {  	v21 =	vadd.s32 $0x5A0, v23;
	[tilespmem:v15+s26+$0x0] =	vst.idx.msk vm3, v27  }
0x10e: {  	[tilespmem:v20+s25+$0x0] =	vst.idx.msk vm14, v8  }
0x10f: {  	v12 =	vperm.xlane v12, v2;
	v9 =	vperm.xlane v9, v2;
	[tilespmem:v20+s26+$0x0] =	vst.idx.msk vm14, v22  }
0x110: {  	v18 =	vperm.xlane v46, v2;
	v11 =	vperm.xlane v11, v2;
	[tilespmem:v24+s25+$0x0] =	vst.idx.msk vm15, v59  }
0x111: {  	v16 =	vperm.xlane v55, v2;
	v10 =	vperm.xlane v53, v2;
	[tilespmem:v24+s26+$0x0] =	vst.idx.msk vm15, v14  }
0x112: {  	v15 =	vperm.xlane v0, v2;
	v8 =	vperm.xlane v41, v2;
	[tilespmem:v21+s25+$0x0] =	vst.idx.msk vm12, v49  }
0x113: {  	v20 =	vperm.xlane v23, v2;
	v14 =	vperm.xlane v37, v2;
	[tilespmem:v21+s26+$0x0] =	vst.idx.msk vm12, v7  }
0x114: {  	p2 =	seq.s32 s1, $0x80  }
.Ltmp3:
0x115: {  	_ = 	snop;
	(pc) =	sbr.rel @!p2 .LBB2_8-.Ltmp3, $2  }
0x116: {  	_ =	sdelay $0x2  }
0x117: {  	p1 =	por !p1, !p1  }
0x118: {  	s1 =	sshrl.u32 s31, $0x1F  }
0x119: {  	s1 =	sadd.s32 s1, s31  }
0x11a: {  	s1 =	sand.u32 $0xFFFFFFFE, s1  }
0x11b: {  	p1 =	slt.s32 s31, $0x1;
	s1 =	ssub.s32 s31, s1  }
0x11c: {  	s7 =	sxor.u32 @!p1 $0x1, s1  }
0x11d: {  	s8 =	simm.s32 @!p1 $0x5;
	s7 =	smul.u32 @!p1 $0x1800, s7  }
0x11e: {  	_ =	swait.ge @!p1 [sflag:s8], $0x600  }
0x11f: {  	[sflag:s8] =	ssyncset.done @!p1 $0x0;
	s7 =	sshrl.u32 @!p1 s7, $0x2  }
0x120: {  	[sflag:s8] =	ssyncadd.s32 @!p1 $0xFFFFFA00;
	s7 =	sadd.s32 @!p1 $0x1D300, s7  }
0x121: {  	[tilespmem:s7], [sflag:$0x6] =	stream.linear.gather @!p1 [spmem:s2], $0x600, $0x38;
	[tilespmem:$0x1FE80] =	vst v63  }
0x122: {  	s7 =	simm.s32 @!p1 $0x6  }
0x123: {  	s1 =	smul.u32 $0x600, s1;
	_ =	swait.ge @!p1 [sflag:s7], $0x600  }
0x124: {  	s23 =	simm.s32 $0x600;
	[sflag:s7] =	ssyncset.done @!p1 $0x0  }
0x125: {  	s13 =	sadd.s32 $0x1D300, s1;
	s1 =	sadd.s32 $0x1C700, s1;
	[sflag:s7] =	ssyncadd.s32 @!p1 $0xFFFFFA00  }
0x126: {  	[spmem:s3] =	stream.indirect.scatter.add.s32 [tilespmem:s13], [sflag:$0x6], $0x1, s1, s23, $0xb8;
	[tilespmem:$0x1FE80] =	vst v63  }
0x127: {  	_ =	swait.ge [sflag:s21], $0x600  }
0x128: {  	[sflag:s21] =	ssyncset.done $0x0  }
0x129: {  	[sflag:s21] =	ssyncadd.s32 $0xFFFFFA00  }
0x12a: {  	[tilespmem:s13], [sflag:$0x6] =	stream.linear.gather [spmem:s2], $0x600, $0x38;
	[tilespmem:$0x1FE80] =	vst v63  }
0x12b: {  	_ =	swait.ge [sflag:s21], $0x600  }
0x12c: {  	[sflag:s21] =	ssyncset.done $0x0  }
0x12d: {  	[sflag:s21] =	ssyncadd.s32 $0xFFFFFA00  }
0x12e: {  	[bflag:$0x0] =	sbarrier.arrive $0xFFFF  }
0x12f: {  	[tilespmem:s20], [sflag:$0x6] =	stream.linear.gather [spmem:s11], $0xFA0, $0x38;
	[tilespmem:$0x1FE80] =	vst v63  }
0x130: {  	_ =	swait.ge [sflag:s21], $0xFA0  }
0x131: {  	[sflag:s21] =	ssyncset.done $0x0  }
0x132: {  	s24 =	sadd.s32 s15, s14;
	[sflag:s21] =	ssyncadd.s32 $0xFFFFF060  }
0x133: {  	[hbm4b:s24+s4] =	stream.linear.scatter [tilespmem:s20], [sflag:$0x3], $0xFA0, $0x38;
	[tilespmem:$0x1FE80] =	vst v63  }
0x134: {  	_ = 	snop  }
0x135: {  	[tilespmem:s29], [sflag:$0x6] =	stream.linear.gather [spmem:s16], $0xFA0, $0x38;
	[tilespmem:$0x1FE80] =	vst v63  }
0x136: {  	_ =	swait.ge [sflag:s21], $0xFA0  }
0x137: {  	[sflag:s21] =	ssyncset.done $0x0  }
0x138: {  	s28 =	simm.s32 $0x2;
	s1 =	sadd.s32 $0x1F4, s24;
	[sflag:s21] =	ssyncadd.s32 $0xFFFFF060  }
0x139: {  	[hbm4b:s1+s4] =	stream.linear.scatter [tilespmem:s29], [sflag:$0x4], $0xFA0, $0x38;
	[tilespmem:$0x1FE80] =	vst v63  }
0x13a: {  	s1 =	sand.u32 $0x1, s28  }
0x13b: {  	s8 =	sadd.s32 $0x3, s1;
	s1 =	smul.u32 $0x3E80, s1  }
0x13c: {  	_ =	swait.ge [sflag:s8], $0xFA0  }
0x13d: {  	s12 =	simm.s32 $0x4;
	s1 =	sshrl.u32 s1, $0x2;
	[sflag:s8] =	ssyncset.done $0x0  }
0x13e: {  	s14 =	smov.u32 s19;
	s9 =	sadd.s32 $0x1DF00, s1;
	[sflag:s8] =	ssyncadd.s32 $0xFFFFF060  }
0x13f: {  	[tilespmem:s9], [sflag:$0x6] =	stream.linear.gather [spmem:s18], $0xFA0, $0x38;
	[tilespmem:$0x1FE80] =	vst v63  }
0x140: {  	s31 =	simm.s32 $0x3;
	s7 =	sadd.s32 $0xFA0, s18;
	_ =	swait.ge [sflag:s21], $0xFA0  }
0x141: {  	s23 =	sand.u32 $0x1, s31;
	s1 =	sadd.s32 $0x1F4, s19;
	[sflag:s21] =	ssyncset.done $0x0  }
.LBB2_12:
0x142: {  	s13 =	sadd.s32 $0x3, s23;
	s23 =	smul.u32 $0x3E80, s23  }
0x143: {  	[sflag:s21] =	ssyncadd.s32 $0xFFFFF060;
	s24 =	smov.u32 s12;
	s28 =	sadd.s32 $0x1, s12  }
0x144: {  	[hbm4b:s14+s4] =	stream.linear.scatter [tilespmem:s9], [sflag:s8], $0xFA0, $0x38;
	[tilespmem:$0x1FE80] =	vst v63  }
0x145: {  	p1 =	sne.s32 s12, $0x18;
	_ =	swait.ge [sflag:s13], $0xFA0;
	s8 =	sshrl.u32 s23, $0x2  }
.Ltmp4:
0x146: {  	[sflag:s13] =	ssyncset.done $0x0;
	s9 =	sadd.s32 $0x1DF00, s8;
	(pc) =	sbr.rel @p1 .LBB2_12-.Ltmp4, $4  }
0x147: {  	s14 =	smov.u32 s1;
	s8 =	smov.u32 s13;
	[sflag:s13] =	ssyncadd.s32 $0xFFFFF060  }
0x148: {  	[tilespmem:s9], [sflag:$0x6] =	stream.linear.gather [spmem:s7], $0xFA0, $0x38;
	[tilespmem:$0x1FE80] =	vst v63  }
0x149: {  	s1 =	sadd.s32 $0x1F4, s1;
	s12 =	smov.u32 s28;
	_ =	swait.ge [sflag:s21], $0xFA0  }
0x14a: {  	s23 =	sand.u32 $0x1, s24;
	s7 =	sadd.s32 $0xFA0, s7;
	[sflag:s21] =	ssyncset.done $0x0  }
0x14b: {  	s12 =	sadd.s32 $0x3, s23;
	s13 =	smul.u32 $0x3E80, s23;
	[sflag:s21] =	ssyncadd.s32 $0xFFFFF060  }
0x14c: {  	[hbm4b:s14+s4] =	stream.linear.scatter [tilespmem:s9], [sflag:s8], $0xFA0, $0x38;
	[tilespmem:$0x1FE80] =	vst v63  }
0x14d: {  	_ =	swait.ge [sflag:s12], $0xFA0  }
0x14e: {  	s31 =	sshrl.u32 s13, $0x2;
	[sflag:s12] =	ssyncset.done $0x0  }
0x14f: {  	s8 =	sadd.s32 $0x1DF00, s31;
	[sflag:s12] =	ssyncadd.s32 $0xFFFFF060  }
0x150: {  	[tilespmem:s8], [sflag:$0x6] =	stream.linear.gather [spmem:s7], $0xFA0, $0x38;
	[tilespmem:$0x1FE80] =	vst v63  }
0x151: {  	_ =	swait.ge [sflag:s21], $0xFA0  }
0x152: {  	[sflag:s21] =	ssyncset.done $0x0  }
0x153: {  	[sflag:s21] =	ssyncadd.s32 $0xFFFFF060  }
0x154: {  	[hbm4b:s1+s4] =	stream.linear.scatter [tilespmem:s8], [sflag:s12], $0xFA0, $0x38;
	[tilespmem:$0x1FE80] =	vst v63  }
0x155: {  	_ =	swait.ge [sflag:s30], $0xFA0  }
0x156: {  	s0 =	sadd.s32 $0x1, s0;
	[sflag:s30] =	ssyncset.done $0x0  }
0x157: {  	p1 =	sne.s32 s0, $0xA;
	[sflag:s30] =	ssyncadd.s32 $0xFFFFF060  }
.Ltmp5:
0x158: {  	_ =	swait.ge [sflag:s22], $0xFA0;
	(pc) =	sbr.rel @p1 .LBB2_4-.Ltmp5, $4  }
0x159: {  	[sflag:s22] =	ssyncset.done $0x0  }
0x15a: {  	[sflag:s22] =	ssyncadd.s32 $0xFFFFF060  }
0x15b: {  	[bflag:$0x0] =	sbarrier.arrive $0xFFFF  }
0x15c: {  	s17 =	sadd.s32 $0x30D40, s17;
	s19 =	sadd.s32 $0x30D40, s19;
	v0 =	vlaneseq.u32  }
0x15d: {  	s1 =	rddreg [dreg:$0xd]  }
0x15e: {  	s0 =	rddreg [dreg:$0x9];
	s1 =	sadd.s32 $0x1, s1  }
0x15f: {  	p1 =	sne.s32 s1, s0  }
.Ltmp6:
0x160: {  	_ = 	snop;
	(pc) =	sbr.rel @p1 .LBB2_1-.Ltmp6, $1  }
0x161: {  	_ =	sdelay $0x3  }
0x162: {  	_ =	sfence.sel $0x180000  }
0x163: {  	[bflag:$0x0] =	sbarrier.arrive $0xFFFF  }
0x164: {  	_ =	strace $0x90000047  }
0x165: {  	[bflag:$0x2] =	sbarrier.arrive $0xFFFF  }
0x166: {  	s0 =	rddreg [dreg:$0x4]  }
0x167: {  	s0 =	sadd.s32 @!p0 $0x100000, s0  }
0x168: {  	[sflag:s0] =	ssyncadd.tile.s32 @!p0 $0x1;
	_ =	shalt  }
.Lfunc_end2:
_tile_overlayer_lowered:
.L_overlay_start_2:
0x169: {  	(tag) =	ssettag $0x2  }
0x16a: {  	s0 =	rddreg [dreg:$0x0];
	s2 =	stileid.u32  }
0x16b: {  	s1 =	rddreg [dreg:$0x1];
	p0 =	sne.s32 s2, $0x0  }
0x16c: {  	s3 =	rddreg [dreg:$0x2];
	[bflag:$0x3] =	sbarrier.arrive $0xFFFF;
	s2 =	simm.s32 @!p0 $0x1C06  }
0x16d: {  	[timem:s3], [sflag:s2] =	dma.local @!p0 [hbm:s0], s1  }
0x16e: {  	s0 =	simm.s32 @!p0 $0x6  }
0x16f: {  	_ =	swait.ge @!p0 [sflag:s0], s1  }
0x170: {  	s1 =	ssub.s32 @!p0 $0x0, s1;
	[sflag:s0] =	ssyncset.done @!p0 $0x0  }
0x171: {  	[sflag:s0] =	ssyncadd.s32 @!p0 s1  }
0x172: {  	[bflag:$0x3] =	sbarrier.arrive $0xFFFF  }
0x173: {  	_ =	shalt  }

// kernel: sparse-core-data-format-call.cloned.1.call-start
scs
called_computation_lowered:
.L_overlay_start_0:
0x0: {  	s2 =	sld [smem:$0x3FD9]  }
0x1: {  	s3 =	sld [smem:$0x3FFE];
	_ =	sdelay $0x1  }
0x2: {  	s1 =	srdreg.scid  }
0x3: {  	s0 =	sand.u32 $0x1, s1  }
0x4: {  	s18 =	sshll.u32 s0, $0xA;
	s2 =	sadd.s32 s3, s2  }
0x5: {  	s2 =	sadd.s32 s2, s18  }
0x6: {  	[smem:$0x3FC5] =	sst s2  }
0x7: {  	_ = 	snop  }
0x8: {  	s2 =	sld [smem:$0x3FD0];
	(tm) =	ssettm $0x1  }
0x9: {  	s19 =	sld [smem:$0x3FFB];
	_ =	sdelay $0x3  }
0xa: {  	_ =	strace s19  }
0xb: {  	s3 =	sld [smem:$0x3FFC];
	_ =	sdelay $0x3  }
0xc: {  	_ =	strace s3  }
0xd: {  	s3 =	sld [smem:$0x3FFD];
	_ =	sdelay $0x3  }
0xe: {  	_ =	strace s3  }
0xf: {  	_ =	strace $0x8FFFFFFF  }
0x10: {  	s20 =	sld [smem:$0x3FDB];
	_ =	sdelay $0x1  }
0x11: {  	s4 =	simm.s32 $_scs_section_size  }
0x12: {  	s5 =	simm.s32 $_size__tile_overlayer_lowered;
	s6 =	simm.s32 $_tile_overlayer_lowered  }
0x13: {  	s23 =	simm.s32 $0x1BFF;
	s22 =	sshll.u32 s6, $0x1;
	s3 =	sadd.s32 s4, s20  }
0x14: {  	s7 =	simm.s32 $0x0;
	s21 =	sshll.u32 s5, $0x1;
	s5 =	sadd.s32 s22, s3  }
0x15: {  	[timem:s7], [sflag:s23] =	dma.local [hbm:s5], s21  }
0x16: {  	_ =	swait.ge [sflag:s23], s21  }
0x17: {  	s4 =	ssub.s32 $0x0, s21;
	[sflag:s23] =	ssyncset.done $0x0  }
0x18: {  	[sflag:s23] =	ssyncadd.s32 s4;
	_ =	sdelay $0x1  }
0x19: {  	s24 =	simm.s32 $0x1B8B  }
0x1a: {  	_ =	swait.ge [sflag:s24], $0x1  }
0x1b: {  	[sflag:s24] =	ssyncset.done $0x0  }
0x1c: {  	s26 =	simm.s32 $0x1B8E;
	s25 =	sld [smem:$0x3FFE];
	[sflag:s24] =	ssyncadd.s32 $0xFFFFFFFF  }
0x1d: {  	s27 =	simm.s32 $execute0_lowered;
	[smem:$0x3FD2] =	sst s26  }
0x1e: {  	s5 =	sshll.u32 s27, $0x1;
	_ =	strace $0x80000049;
	[dreg:$0x1] =	wrdreg $0xFFFFFFFF  }
0x1f: {  	s28 =	simm.s32 $_size_execute0_lowered;
	s3 =	sadd.s32 s3, s5;
	[dreg:$0x0] =	wrdreg $0x0  }
0x20: {  	s5 =	sshll.u32 s28, $0x1;
	[dreg:$0x2] =	wrdreg s3  }
0x21: {  	[dreg:$0x3] =	wrdreg s5  }
0x22: {  	[dreg:$0x4] =	wrdreg $0xC0  }
0x23: {  	_ =	task [dreg:s7], $0x5FFFF  }
0x24: {  	[dreg:$0x1] =	wrdreg $0xFFFFFFFF  }
0x25: {  	[dreg:$0x0] =	wrdreg $0x60  }
0x26: {  	[dreg:$0x2] =	wrdreg s25  }
0x27: {  	[dreg:$0x3] =	wrdreg s2  }
0x28: {  	[dreg:$0x4] =	wrdreg $0x9  }
0x29: {  	_ =	task.clear_ibuf [dreg:s7], $0x5FFFF;
	_ =	strace $0x90000049  }
0x2a: {  	s29 =	simm.s32 $0x9;
	_ =	strace $0x8000004B  }
0x2b: {  	_ =	swait.ge [sflag:s29], $0x1  }
0x2c: {  	[sflag:s29] =	ssyncadd.s32 $0xFFFFFFFF  }
0x2d: {  	_ =	strace $0x9000004B  }
0x2e: {  	_ =	sfence  }
0x2f: {  	s30 =	sld [smem:$0x0];
	_ =	sdelay $0x2  }
0x30: {  	s31 =	sshll.u32 s1, $0xD;
	s1 =	sshrl.u32 s1, $0x2  }
0x31: {  	s3 =	sand.u32 $0x4000, s31;
	s1 =	sadd.s32 s1, s30  }
0x32: {  	s0 =	sor.u32 s3, s0;
	s1 =	sshll.u32 s1, $0x11  }
0x33: {  	s0 =	sor.u32 s1, s0  }
0x34: {  	s0 =	sadd.s32 $0x8F2B, s0  }
0x35: {  	[sflag:s0] =	ssyncadd.remote.s32 $0x1  }
0x36: {  	_ =	sfence.sel $0xFFFF  }
0x37: {  	[dreg:$0x0] =	wrdreg $0xFFFFFFFF;
	(pc) =	sbr.abs _section_cstart, $3  }
0x38: {  	[dreg:$0x1] =	wrdreg $0xFFFFFFFF  }
0x39: {  	_ =	task.clear_ibuf [dreg:s7], $0x2FFFF;
	_ =	strace $0x9FFFFFFF  }
0x3a: {  	(tm) =	ssettm $0x7FFFFFFF  }
0x3b: {  	_ =	shalt  }
tec
execute0_lowered:
.L_overlay_start_1:
0x0: {  	(tag) =	ssettag $0x1  }
0x1: {  	s4 =	rddreg [dreg:$0x0]  }
0x2: {  	s0 =	srdreg.scid;
	s2 =	rddreg [dreg:$0x1]  }
0x3: {  	s1 =	stileid.u32;
	s5 =	simm.s32 $0x1;
	s0 =	sshll.u32 s0, $0x4  }
0x4: {  	s7 =	simm.s32 $0x2;
	s11 =	simm.s32 $0x0;
	s3 =	sand.u32 $0x10, s0  }
.Ltmp0:
0x5: {  	p0 =	por $0x0, $0x0;
	s3 =	sor.u32 s1, s3;
	(pc) =	sbr.rel .LBB1_1-.Ltmp0, $4  }
0x6: {  	s8 =	simm.s32 $0x3D0C00;
	s10 =	simm.s32 $0x0;
	s3 =	sshll.u32 s3, $0x7  }
0x7: {  	s0 =	rddreg [dreg:$0x2];
	_ =	strace $0x8000004A;
	s6 =	ssub.s32 $0x7A100, s3  }
0x8: {  	s4 =	sadd.s32 $0x7D1200, s4;
	[sflag:s5] =	ssyncpa.u1 $0x0;
	s6 =	sshrl.u32 s6, $0xC  }
0x9: {  	[sflag:s7] =	ssyncpa.u1 $0x0;
	s9 =	smov.u32 s3;
	s7 =	sadd.s32 $0x2, s6  }
.LBB1_5:
0xa: {  	s13 =	sadd.s32 $0x1000, s9  }
0xb: {  	p2 =	sgt.s32 s13, $0x7A11F  }
0xc: {  	s13 =	smov.u32 @p2 s3;
	p2 =	sne.s32 s10, s7  }
.Ltmp1:
0xd: {  	p1 =	slt.u32 s10, $0x2;
	(pc) =	sbr.rel @!p2 .LBB1_6-.Ltmp1, $4  }
0xe: {  	s12 =	simm.s32 @!p1 $0x2  }
0xf: {  	s14 =	sadd.s32 $0x1, s10;
	_ =	swait.ge @!p1 [sflag:s12], $0x2000  }
0x10: {  	s11 =	smov.u32 s9;
	p0 =	por !p0, !p0;
	[sflag:s12] =	ssyncset.done @!p1 $0x0  }
0x11: {  	s10 =	smov.u32 s14;
	s9 =	smov.u32 s13;
	[sflag:s12] =	ssyncadd.s32 @!p1 $0xFFFFE000  }
.LBB1_1:
0x12: {  	p1 =	sgt.u32 s10, s6  }
0x13: {  	s13 =	smov.u32 s9;
	p2 =	sgt.s32 @!p1 s9, $0x7A0A0  }
0x14: {  	s12 =	sand.u32 @!p1 $0x1FFFFFF, s9;
	s14 =	sshra.s32 @!p1 s9, $0x1F;
	p2 =	por !p2, p1  }
0x15: {  	s15 =	smulhi.u32 @!p1 $0x218DEF5, s12;
	s14 =	sand.u32 @!p1 s14, s9;
	s13 =	simm.s32 @p2 $0x7A0A0  }
0x16: {  	s13 =	ssub.s32 @!p1 s13, s14  }
0x17: {  	s14 =	sshrl.u32 @!p1 s15, $0xC;
	s13 =	sadd.s32 @!p1 $0xFFF85F60, s13  }
0x18: {  	s15 =	sxor.u32 @!p1 $0xFFFFFFFF, s10;
	s14 =	smul.u32 @!p1 $0x7A120, s14;
	s16 =	sshll.u32 @!p1 s13, $0x8  }
0x19: {  	s15 =	sshll.u32 @!p1 s15, $0xD;
	p2 =	sgt.s32 @!p1 s13, $0x7F;
	s13 =	ssub.s32 @!p1 $0x8000, s16  }
0x1a: {  	s12 =	ssub.s32 @!p1 s12, s14;
	p2 =	por !p2, p1;
	s14 =	sand.u32 @!p1 $0x2000, s15  }
0x1b: {  	s15 =	simm.s32 @!p1 $0x40;
	s13 =	sshrl.u32 @!p1 s13, $0x2;
	s12 =	sshll.u32 @!p1 s12, $0x4  }
0x1c: {  	s16 =	simm.s32 @!p1 $0x80;
	s13 =	simm.s32 @!p2 $0x0;
	s12 =	sadd.s32 @!p1 s4, s12  }
0x1d: {  	[tilespmem:s14], [sflag:$0x1] =	stream.strided.gather @!p1 [hbm4b:s12+s15], s13, s16, s15, $0x38;
	[tilespmem:$0x8080] =	vst v63  }
0x1e: {  	p1 =	seq.s32 s10, $0x0  }
0x1f: {  	p2 =	sge.u32 @!p1 s10, s7  }
0x20: {  	p1 =	por p1, p2  }
.Ltmp2:
0x21: {  	_ = 	snop;
	(pc) =	sbr.rel @p1 .LBB1_5-.Ltmp2, $1  }
0x22: {  	_ =	sdelay $0x3  }
0x23: {  	p1 =	sgt.s32 s11, $0x7A0A0;
	s12 =	smov.u32 s11;
	s13 =	sshra.s32 s11, $0x1F  }
0x24: {  	s12 =	simm.s32 @!p1 $0x7A0A0;
	s13 =	sand.u32 s13, s11  }
0x25: {  	s12 =	ssub.s32 s12, s13  }
0x26: {  	s12 =	sadd.s32 $0xFFF85F60, s12  }
0x27: {  	s28 =	sshll.u32 s12, $0x8  }
0x28: {  	s13 =	ssub.s32 $0x8000, s28  }
0x29: {  	p1 =	sgt.s32 s12, $0x7F;
	s12 =	sshrl.u32 s13, $0x2  }
0x2a: {  	s13 =	simm.s32 $0x1;
	s12 =	simm.s32 @p1 $0x0  }
0x2b: {  	s13 =	simm.s32 @!p0 $0x0;
	_ =	swait.ge [sflag:s5], s12  }
0x2c: {  	s14 =	sshll.u32 s13, $0xD;
	s12 =	ssub.s32 $0x0, s12;
	[sflag:s5] =	ssyncset.done $0x0  }
0x2d: {  	s16 =	sor.u32 $0x20, s14;
	[sflag:s5] =	ssyncadd.s32 s12  }
0x2e: {  	s29 =	smul.u32 $0x8100, s13;
	v3 =	vld [tilespmem:s16+$0x10]  }
0x2f: {  	s30 =	sand.u32 $0x1, s10;
	v2 =	vld [tilespmem:s16+$0xFFFFFFF0]  }
0x30: {  	s13 =	smul.u32 $0x8100, s30;
	s12 =	sshrl.u32 s29, $0x2;
	v0 =	vld [tilespmem:s16+$0x0]  }
0x31: {  	s14 =	sor.u32 $0x4000, s12;
	v1 =	vld [tilespmem:s16+$0xFFFFFFE0]  }
0x32: {  	s31 =	sshrl.u32 s13, $0x2;
	s13 =	sadd.s32 $0x0, s14  }
0x33: {  	s15 =	simm.s32 $0x4;
	s12 =	sor.u32 $0x4000, s31;
	s16 =	sadd.s32 $0x40, s16;
	[tilespmem:s13+$0x1830 ss:$0x81] =	vst.msk $0xffff, v3  }
.LBB1_3:
0x34: {  	v3 =	vld [tilespmem:s16+$0x10];
	p1 =	sne.s32 s15, $0x1FC;
	[tilespmem:s13+$0x810 ss:$0x81] =	vst.msk $0xffff, v2;
	s17 =	smov.u32 s15;
	s15 =	sadd.s32 $0x4, s15  }
.Ltmp3:
0x35: {  	v2 =	vld [tilespmem:s16+$0xFFFFFFF0];
	[tilespmem:s13+$0x1020 ss:$0x81] =	vst.msk $0xffff, v0;
	(pc) =	sbr.rel @p1 .LBB1_3-.Ltmp3, $4  }
0x36: {  	v0 =	vld [tilespmem:s16+$0x0];
	[tilespmem:s13+$0x0 ss:$0x81] =	vst.msk $0xffff, v1  }
0x37: {  	s13 =	sshra.s32 s17, $0x2;
	v1 =	vld [tilespmem:s16+$0xFFFFFFE0]  }
0x38: {  	s13 =	sadd.s32 s13, s14  }
0x39: {  	s16 =	sadd.s32 $0x40, s16;
	[tilespmem:s13+$0x1830 ss:$0x81] =	vst.msk $0xffff, v3  }
0x3a: {  	s14 =	sshll.u32 s11, $0x3  }
0x3b: {  	s14 =	sand.u32 $0xFFFFFC00, s14  }
0x3c: {  	s15 =	sshrl.u32 s14, $0x7  }
0x3d: {  	s15 =	smulhi.u32 $0x10C6249, s15;
	_ =	sdelay $0x1  }
0x3e: {  	s15 =	sshrl.u32 s15, $0x4  }
0x3f: {  	s28 =	sand.u32 $0x7F, s11;
	s16 =	smul.u32 $0x7A180, s15  }
0x40: {  	s11 =	sor.u32 s28, s14  }
.Ltmp4:
0x41: {  	s29 =	sand.u32 $0x3F, s15;
	s11 =	ssub.s32 s11, s16;
	(pc) =	sbr.rel .LBB1_5-.Ltmp4, $4  }
0x42: {  	[tilespmem:s13+$0x810 ss:$0x81] =	vst.msk $0xffff, v2;
	s14 =	smul.u32 $0xF430, s29;
	s30 =	sshrl.u32 s11, $0x3;
	s11 =	sand.u32 $0x7, s11  }
0x43: {  	[tilespmem:s13+$0x1020 ss:$0x81] =	vst.msk $0xffff, v0;
	s15 =	sadd.s32 s2, s30;
	s11 =	sshll.u32 s11, $0x12  }
0x44: {  	[tilespmem:s13+$0x0 ss:$0x81] =	vst.msk $0xffff, v1;
	s31 =	sadd.s32 s14, s15;
	s11 =	sor.u32 $0x400, s11  }
0x45: {  	[hbm4b:s31+s11] =	stream.strided.scatter [tilespmem:s12], [sflag:$0x2], $0x2000, s8, s11, $0x20;
	[tilespmem:$0x8080] =	vst v63  }
.LBB1_6:
0x46: {  	_ =	sfence.sel $0x180000  }
0x47: {  	s2 =	simm.s32 $0x1;
	[bflag:$0x0] =	sbarrier.arrive $0xFFFF  }
0x48: {  	s31 =	simm.s32 $0x2;
	[sflag:s2] =	ssyncpa.u1 $0x1  }
0x49: {  	[sflag:s31] =	ssyncpa.u1 $0x1  }
0x4a: {  	p0 =	sne.s32 s1, $0x0;
	_ =	strace $0x9000004A  }
0x4b: {  	s0 =	sadd.s32 @!p0 $0x100000, s0;
	[bflag:$0x2] =	sbarrier.arrive $0xFFFF  }
0x4c: {  	[sflag:s0] =	ssyncadd.tile.s32 @!p0 $0x1;
	_ =	shalt  }
.Lfunc_end1:
_tile_overlayer_lowered:
.L_overlay_start_2:
0x4d: {  	(tag) =	ssettag $0x2  }
0x4e: {  	s0 =	rddreg [dreg:$0x0];
	s2 =	stileid.u32  }
0x4f: {  	s1 =	rddreg [dreg:$0x1];
	p0 =	sne.s32 s2, $0x0  }
0x50: {  	s3 =	rddreg [dreg:$0x2];
	[bflag:$0x3] =	sbarrier.arrive $0xFFFF;
	s2 =	simm.s32 @!p0 $0x1C01  }
0x51: {  	[timem:s3], [sflag:s2] =	dma.local @!p0 [hbm:s0], s1  }
0x52: {  	s0 =	simm.s32 @!p0 $0x1  }
0x53: {  	_ =	swait.ge @!p0 [sflag:s0], s1  }
0x54: {  	s1 =	ssub.s32 @!p0 $0x0, s1;
	[sflag:s0] =	ssyncset.done @!p0 $0x0  }
0x55: {  	[sflag:s0] =	ssyncadd.s32 @!p0 s1  }
0x56: {  	[bflag:$0x3] =	sbarrier.arrive $0xFFFF  }
0x57: {  	_ =	shalt  }

</sc_bundles>
